<compile_context>
chip_gen: v7x
topology: tpu7x:2x2x1
jax: 0.10.2.dev20260603
libtpu: 0.0.44.dev20260713+nightly
codegen_flags: <defaults>
</compile_context>

<pallas_src>
import functools

import jax
import jax.numpy as jnp
from jax import lax
from jax.experimental import pallas as pl
from jax.experimental.pallas import tpu as pltpu
from jax.experimental.pallas import tpu_sc as plsc

_info = plsc.get_sparse_core_info()
_NC = _info.num_cores
_NS = _info.num_subcores
_NW = _NC * _NS

_CHUNK = 8
_NBUF = 8


@functools.partial(jax.jit, static_argnames=("v", "d", "b"))
def _gather(table, idx, v, d, b):
    b_per_w = b // _NW
    n_ch = b_per_w // _CHUNK
    n_grp = n_ch // _NBUF
    mesh = plsc.VectorSubcoreMesh(core_axis_name="c", subcore_axis_name="s")

    @functools.partial(
        pl.kernel,
        mesh=mesh,
        out_type=jax.ShapeDtypeStruct((b, d), jnp.float32),
        scratch_types=[
            pltpu.VMEM((n_ch, _CHUNK), jnp.int32),
            *[pltpu.VMEM((_CHUNK, d), jnp.float32) for _ in range(_NBUF)],
            *[pltpu.SemaphoreType.DMA for _ in range(2 * _NBUF)],
        ],
    )
    def k(table_hbm, idx_hbm, out_hbm, idx_v, *bufs_sems):
        bufs = bufs_sems[:_NBUF]
        gsems = bufs_sems[_NBUF:2 * _NBUF]
        ssems = bufs_sems[2 * _NBUF:]
        wid = lax.axis_index("s") * _NC + lax.axis_index("c")
        base = wid * b_per_w
        pltpu.sync_copy(idx_hbm.at[wid], idx_v)

        for bslot in range(_NBUF):
            pltpu.async_copy(
                table_hbm.at[idx_v.at[bslot]], bufs[bslot], gsems[bslot])

        def body(g, carry):
            c0 = g * _NBUF
            for bslot in range(_NBUF):
                pltpu.make_async_copy(
                    table_hbm.at[idx_v.at[0]], bufs[bslot], gsems[bslot]
                ).wait()
                pltpu.async_copy(
                    bufs[bslot],
                    out_hbm.at[pl.ds(base + (c0 + bslot) * _CHUNK, _CHUNK)],
                    ssems[bslot],
                )
            for bslot in range(_NBUF):
                pltpu.make_async_copy(
                    table_hbm.at[idx_v.at[0]], bufs[bslot], ssems[bslot]
                ).wait()

                @pl.when(g + 1 < n_grp)
                def _():
                    pltpu.async_copy(
                        table_hbm.at[idx_v.at[c0 + _NBUF + bslot]],
                        bufs[bslot], gsems[bslot])

            return carry

        lax.fori_loop(0, n_grp, body, 0)

    return k(table, idx.reshape(_NW, n_ch, _CHUNK))


def kernel(position_ids, table):
    v, d = table.shape
    b = position_ids.size
    idx = position_ids.reshape(-1).astype(jnp.int32)
    out = _gather(table, idx, v, d, b)
    return out.reshape(position_ids.shape + (d,))

# --- scband reference (transcript-rebuilt; emitter-appended) ---
"""Pipeline reference for scband-positional-embedding-16088947491220 (READ-ONLY COPY).

The authoritative reference and input builder live on the scoring server;
editing this copy changes nothing except your own understanding.
"""

import jax, jax.numpy as jnp
import numpy as np

MAX_LENGTH = 8192
EMBEDDING_SIZE = 1024


def get_sinusoid_encoding(position_size, hidden_size):
    pos = np.arange(position_size, dtype=np.float64)[:, None]
    hid = np.arange(hidden_size, dtype=np.float64)[None, :]
    angle = pos / np.power(10000.0, 2.0 * (hid // 2) / hidden_size)
    sinusoid = angle.copy()
    sinusoid[:, 0::2] = np.sin(sinusoid[:, 0::2])
    sinusoid[:, 1::2] = np.cos(sinusoid[:, 1::2])
    return sinusoid.astype('float32')


def setup_inputs(seed: int = 0) -> dict:
    key = jax.random.key(seed)
    k1, _ = jax.random.split(key)
    position_ids = jax.random.randint(k1, (4, 8192), 0, MAX_LENGTH, dtype=jnp.int64 if jax.config.jax_enable_x64 else jnp.int32)
    table = jnp.asarray(get_sinusoid_encoding(MAX_LENGTH, EMBEDDING_SIZE))
    return {"position_ids": position_ids, "table": table}


def reference(position_ids, table):
    # nn.Embedding lookup: gather rows of the position encoding table
    position_embedding = jnp.take(table, position_ids, axis=0)
    # forward detaches the output (no gradient flows through it)
    position_embedding = jax.lax.stop_gradient(position_embedding)
    return position_embedding

if __name__ == "__main__":
    import jax
    _d = setup_inputs()
    print(jax.jit(kernel)(*tuple(_d.values())))

</pallas_src>

<mosaic_0001>
#map = affine_map<(d0, d1) -> (0, 0)>
#map1 = affine_map<(d0, d1) -> (0, 0, 0)>
module attributes {stable_mosaic.version = 14 : i64} {
  func.func @k(%arg0: i32, %arg1: i32, %arg2: memref<8192x1024xf32, #tpu.memory_space<hbm>>, %arg3: memref<32x128x8xi32, #tpu.memory_space<hbm>>, %arg4: memref<32768x1024xf32, #tpu.memory_space<hbm>>, %arg5: memref<128x8xi32, #tpu.memory_space<vmem>>, %arg6: memref<8x1024xf32, #tpu.memory_space<vmem>>, %arg7: memref<8x1024xf32, #tpu.memory_space<vmem>>, %arg8: memref<8x1024xf32, #tpu.memory_space<vmem>>, %arg9: memref<8x1024xf32, #tpu.memory_space<vmem>>, %arg10: memref<8x1024xf32, #tpu.memory_space<vmem>>, %arg11: memref<8x1024xf32, #tpu.memory_space<vmem>>, %arg12: memref<8x1024xf32, #tpu.memory_space<vmem>>, %arg13: memref<8x1024xf32, #tpu.memory_space<vmem>>, %arg14: memref<!tpu.dma_semaphore, #tpu.memory_space<semaphore_mem>>, %arg15: memref<!tpu.dma_semaphore, #tpu.memory_space<semaphore_mem>>, %arg16: memref<!tpu.dma_semaphore, #tpu.memory_space<semaphore_mem>>, %arg17: memref<!tpu.dma_semaphore, #tpu.memory_space<semaphore_mem>>, %arg18: memref<!tpu.dma_semaphore, #tpu.memory_space<semaphore_mem>>, %arg19: memref<!tpu.dma_semaphore, #tpu.memory_space<semaphore_mem>>, %arg20: memref<!tpu.dma_semaphore, #tpu.memory_space<semaphore_mem>>, %arg21: memref<!tpu.dma_semaphore, #tpu.memory_space<semaphore_mem>>, %arg22: memref<!tpu.dma_semaphore, #tpu.memory_space<semaphore_mem>>, %arg23: memref<!tpu.dma_semaphore, #tpu.memory_space<semaphore_mem>>, %arg24: memref<!tpu.dma_semaphore, #tpu.memory_space<semaphore_mem>>, %arg25: memref<!tpu.dma_semaphore, #tpu.memory_space<semaphore_mem>>, %arg26: memref<!tpu.dma_semaphore, #tpu.memory_space<semaphore_mem>>, %arg27: memref<!tpu.dma_semaphore, #tpu.memory_space<semaphore_mem>>, %arg28: memref<!tpu.dma_semaphore, #tpu.memory_space<semaphore_mem>>, %arg29: memref<!tpu.dma_semaphore, #tpu.memory_space<semaphore_mem>>) attributes {dimension_semantics = [#tpu.dimension_semantics<core_parallel>, #tpu.dimension_semantics<subcore_parallel>], iteration_bounds = array<i64: 2, 16>, scalar_prefetch = 0 : i64, scratch_operands = 25 : i64, tpu.core_type = #tpu.core_type<sc_vector_subcore>, window_params = [{transform_indices = #map}, {transform_indices = #map1}, {transform_indices = #map}]} {
    %mul3A = arith.constant 2 : i32
    %mul3A_0 = arith.muli %arg1, %mul3A : i32
    %add3A = arith.addi %mul3A_0, %arg0 : i32
    %mul3A_1 = arith.constant 1024 : i32
    %mul3A_2 = arith.muli %add3A, %mul3A_1 : i32
    "tpu.region"() ({
      %run_scoped3A = tpu.sem_alloc : memref<!tpu.dma_semaphore, #tpu.memory_space<semaphore_mem>>
      %dma_start3A_63 = arith.constant 0 : i32
      %dma_start3A_64 = arith.constant 0 : i32
      %dma_start3A_65 = tpu.memref_slice %arg3[%add3A, %dma_start3A_63, %dma_start3A_64] : memref<32x128x8xi32, #tpu.memory_space<hbm>> -> memref<1x128x8xi32, #tpu.memory_space<hbm>>
      %dma_start3A_66 = tpu.memref_squeeze %dma_start3A_65 : memref<1x128x8xi32, #tpu.memory_space<hbm>> -> memref<128x8xi32, #tpu.memory_space<hbm>>
      %dma_start3A_67 = arith.constant 0 : i32
      %dma_start3A_68 = arith.constant 0 : i32
      %dma_start3A_69 = tpu.memref_slice %arg3[%add3A, %dma_start3A_67, %dma_start3A_68] : memref<32x128x8xi32, #tpu.memory_space<hbm>> -> memref<1x128x8xi32, #tpu.memory_space<hbm>>
      %dma_start3A_70 = tpu.memref_squeeze %dma_start3A_69 : memref<1x128x8xi32, #tpu.memory_space<hbm>> -> memref<128x8xi32, #tpu.memory_space<hbm>>
      tpu.enqueue_dma source(%dma_start3A_70 : memref<128x8xi32, #tpu.memory_space<hbm>>) target(%arg5 : memref<128x8xi32, #tpu.memory_space<vmem>>) target_semaphore(%run_scoped3A : memref<!tpu.dma_semaphore, #tpu.memory_space<semaphore_mem>>)
      %dma_wait3A = arith.constant 0 : i32
      %dma_wait3A_71 = arith.constant 0 : i32
      %dma_wait3A_72 = tpu.memref_slice %arg3[%add3A, %dma_wait3A, %dma_wait3A_71] : memref<32x128x8xi32, #tpu.memory_space<hbm>> -> memref<1x128x8xi32, #tpu.memory_space<hbm>>
      %dma_wait3A_73 = tpu.memref_squeeze %dma_wait3A_72 : memref<1x128x8xi32, #tpu.memory_space<hbm>> -> memref<128x8xi32, #tpu.memory_space<hbm>>
      %dma_wait3A_74 = arith.constant 0 : i32
      %dma_wait3A_75 = arith.constant 0 : i32
      %dma_wait3A_76 = tpu.memref_slice %arg3[%add3A, %dma_wait3A_74, %dma_wait3A_75] : memref<32x128x8xi32, #tpu.memory_space<hbm>> -> memref<1x128x8xi32, #tpu.memory_space<hbm>>
      %dma_wait3A_77 = tpu.memref_squeeze %dma_wait3A_76 : memref<1x128x8xi32, #tpu.memory_space<hbm>> -> memref<128x8xi32, #tpu.memory_space<hbm>>
      tpu.wait_dma2 semaphore(%run_scoped3A : memref<!tpu.dma_semaphore, #tpu.memory_space<semaphore_mem>>) src(%dma_wait3A_77 : memref<128x8xi32, #tpu.memory_space<hbm>>) dst(%arg5 : memref<128x8xi32, #tpu.memory_space<vmem>>)
      tpu.yield
    }) : () -> ()
    %dma_start3A = arith.constant 0 : i32
    %dma_start3A_3 = arith.constant 0 : i32
    %dma_start3A_4 = tpu.memref_slice %arg5[%dma_start3A, %dma_start3A_3] : memref<128x8xi32, #tpu.memory_space<vmem>> -> memref<1x8xi32, #tpu.memory_space<vmem>>
    %dma_start3A_5 = tpu.memref_squeeze %dma_start3A_4 : memref<1x8xi32, #tpu.memory_space<vmem>> -> memref<8xi32, #tpu.memory_space<vmem>>
    %dma_start3A_6 = arith.constant 0 : i32
    %dma_start3A_7 = arith.constant 0 : i32
    %dma_start3A_8 = tpu.memref_slice %arg2[%dma_start3A_6, %dma_start3A_7] : memref<8192x1024xf32, #tpu.memory_space<hbm>> -> memref<8192x1024xf32, #tpu.memory_space<hbm>>
    tpu.enqueue_indirect_dma source(%dma_start3A_8 : memref<8192x1024xf32, #tpu.memory_space<hbm>>) target(%arg6 : memref<8x1024xf32, #tpu.memory_space<vmem>>) offsets(%dma_start3A_5 : memref<8xi32, #tpu.memory_space<vmem>>) semaphore(%arg14 : memref<!tpu.dma_semaphore, #tpu.memory_space<semaphore_mem>>)
    %dma_start3A_9 = arith.constant 1 : i32
    %dma_start3A_10 = arith.constant 0 : i32
    %dma_start3A_11 = tpu.memref_slice %arg5[%dma_start3A_9, %dma_start3A_10] : memref<128x8xi32, #tpu.memory_space<vmem>> -> memref<1x8xi32, #tpu.memory_space<vmem>>
    %dma_start3A_12 = tpu.memref_squeeze %dma_start3A_11 : memref<1x8xi32, #tpu.memory_space<vmem>> -> memref<8xi32, #tpu.memory_space<vmem>>
    %dma_start3A_13 = arith.constant 0 : i32
    %dma_start3A_14 = arith.constant 0 : i32
    %dma_start3A_15 = tpu.memref_slice %arg2[%dma_start3A_13, %dma_start3A_14] : memref<8192x1024xf32, #tpu.memory_space<hbm>> -> memref<8192x1024xf32, #tpu.memory_space<hbm>>
    tpu.enqueue_indirect_dma source(%dma_start3A_15 : memref<8192x1024xf32, #tpu.memory_space<hbm>>) target(%arg7 : memref<8x1024xf32, #tpu.memory_space<vmem>>) offsets(%dma_start3A_12 : memref<8xi32, #tpu.memory_space<vmem>>) semaphore(%arg15 : memref<!tpu.dma_semaphore, #tpu.memory_space<semaphore_mem>>)
    %dma_start3A_16 = arith.constant 2 : i32
    %dma_start3A_17 = arith.constant 0 : i32
    %dma_start3A_18 = tpu.memref_slice %arg5[%dma_start3A_16, %dma_start3A_17] : memref<128x8xi32, #tpu.memory_space<vmem>> -> memref<1x8xi32, #tpu.memory_space<vmem>>
    %dma_start3A_19 = tpu.memref_squeeze %dma_start3A_18 : memref<1x8xi32, #tpu.memory_space<vmem>> -> memref<8xi32, #tpu.memory_space<vmem>>
    %dma_start3A_20 = arith.constant 0 : i32
    %dma_start3A_21 = arith.constant 0 : i32
    %dma_start3A_22 = tpu.memref_slice %arg2[%dma_start3A_20, %dma_start3A_21] : memref<8192x1024xf32, #tpu.memory_space<hbm>> -> memref<8192x1024xf32, #tpu.memory_space<hbm>>
    tpu.enqueue_indirect_dma source(%dma_start3A_22 : memref<8192x1024xf32, #tpu.memory_space<hbm>>) target(%arg8 : memref<8x1024xf32, #tpu.memory_space<vmem>>) offsets(%dma_start3A_19 : memref<8xi32, #tpu.memory_space<vmem>>) semaphore(%arg16 : memref<!tpu.dma_semaphore, #tpu.memory_space<semaphore_mem>>)
    %dma_start3A_23 = arith.constant 3 : i32
    %dma_start3A_24 = arith.constant 0 : i32
    %dma_start3A_25 = tpu.memref_slice %arg5[%dma_start3A_23, %dma_start3A_24] : memref<128x8xi32, #tpu.memory_space<vmem>> -> memref<1x8xi32, #tpu.memory_space<vmem>>
    %dma_start3A_26 = tpu.memref_squeeze %dma_start3A_25 : memref<1x8xi32, #tpu.memory_space<vmem>> -> memref<8xi32, #tpu.memory_space<vmem>>
    %dma_start3A_27 = arith.constant 0 : i32
    %dma_start3A_28 = arith.constant 0 : i32
    %dma_start3A_29 = tpu.memref_slice %arg2[%dma_start3A_27, %dma_start3A_28] : memref<8192x1024xf32, #tpu.memory_space<hbm>> -> memref<8192x1024xf32, #tpu.memory_space<hbm>>
    tpu.enqueue_indirect_dma source(%dma_start3A_29 : memref<8192x1024xf32, #tpu.memory_space<hbm>>) target(%arg9 : memref<8x1024xf32, #tpu.memory_space<vmem>>) offsets(%dma_start3A_26 : memref<8xi32, #tpu.memory_space<vmem>>) semaphore(%arg17 : memref<!tpu.dma_semaphore, #tpu.memory_space<semaphore_mem>>)
    %dma_start3A_30 = arith.constant 4 : i32
    %dma_start3A_31 = arith.constant 0 : i32
    %dma_start3A_32 = tpu.memref_slice %arg5[%dma_start3A_30, %dma_start3A_31] : memref<128x8xi32, #tpu.memory_space<vmem>> -> memref<1x8xi32, #tpu.memory_space<vmem>>
    %dma_start3A_33 = tpu.memref_squeeze %dma_start3A_32 : memref<1x8xi32, #tpu.memory_space<vmem>> -> memref<8xi32, #tpu.memory_space<vmem>>
    %dma_start3A_34 = arith.constant 0 : i32
    %dma_start3A_35 = arith.constant 0 : i32
    %dma_start3A_36 = tpu.memref_slice %arg2[%dma_start3A_34, %dma_start3A_35] : memref<8192x1024xf32, #tpu.memory_space<hbm>> -> memref<8192x1024xf32, #tpu.memory_space<hbm>>
    tpu.enqueue_indirect_dma source(%dma_start3A_36 : memref<8192x1024xf32, #tpu.memory_space<hbm>>) target(%arg10 : memref<8x1024xf32, #tpu.memory_space<vmem>>) offsets(%dma_start3A_33 : memref<8xi32, #tpu.memory_space<vmem>>) semaphore(%arg18 : memref<!tpu.dma_semaphore, #tpu.memory_space<semaphore_mem>>)
    %dma_start3A_37 = arith.constant 5 : i32
    %dma_start3A_38 = arith.constant 0 : i32
    %dma_start3A_39 = tpu.memref_slice %arg5[%dma_start3A_37, %dma_start3A_38] : memref<128x8xi32, #tpu.memory_space<vmem>> -> memref<1x8xi32, #tpu.memory_space<vmem>>
    %dma_start3A_40 = tpu.memref_squeeze %dma_start3A_39 : memref<1x8xi32, #tpu.memory_space<vmem>> -> memref<8xi32, #tpu.memory_space<vmem>>
    %dma_start3A_41 = arith.constant 0 : i32
    %dma_start3A_42 = arith.constant 0 : i32
    %dma_start3A_43 = tpu.memref_slice %arg2[%dma_start3A_41, %dma_start3A_42] : memref<8192x1024xf32, #tpu.memory_space<hbm>> -> memref<8192x1024xf32, #tpu.memory_space<hbm>>
    tpu.enqueue_indirect_dma source(%dma_start3A_43 : memref<8192x1024xf32, #tpu.memory_space<hbm>>) target(%arg11 : memref<8x1024xf32, #tpu.memory_space<vmem>>) offsets(%dma_start3A_40 : memref<8xi32, #tpu.memory_space<vmem>>) semaphore(%arg19 : memref<!tpu.dma_semaphore, #tpu.memory_space<semaphore_mem>>)
    %dma_start3A_44 = arith.constant 6 : i32
    %dma_start3A_45 = arith.constant 0 : i32
    %dma_start3A_46 = tpu.memref_slice %arg5[%dma_start3A_44, %dma_start3A_45] : memref<128x8xi32, #tpu.memory_space<vmem>> -> memref<1x8xi32, #tpu.memory_space<vmem>>
    %dma_start3A_47 = tpu.memref_squeeze %dma_start3A_46 : memref<1x8xi32, #tpu.memory_space<vmem>> -> memref<8xi32, #tpu.memory_space<vmem>>
    %dma_start3A_48 = arith.constant 0 : i32
    %dma_start3A_49 = arith.constant 0 : i32
    %dma_start3A_50 = tpu.memref_slice %arg2[%dma_start3A_48, %dma_start3A_49] : memref<8192x1024xf32, #tpu.memory_space<hbm>> -> memref<8192x1024xf32, #tpu.memory_space<hbm>>
    tpu.enqueue_indirect_dma source(%dma_start3A_50 : memref<8192x1024xf32, #tpu.memory_space<hbm>>) target(%arg12 : memref<8x1024xf32, #tpu.memory_space<vmem>>) offsets(%dma_start3A_47 : memref<8xi32, #tpu.memory_space<vmem>>) semaphore(%arg20 : memref<!tpu.dma_semaphore, #tpu.memory_space<semaphore_mem>>)
    %dma_start3A_51 = arith.constant 7 : i32
    %dma_start3A_52 = arith.constant 0 : i32
    %dma_start3A_53 = tpu.memref_slice %arg5[%dma_start3A_51, %dma_start3A_52] : memref<128x8xi32, #tpu.memory_space<vmem>> -> memref<1x8xi32, #tpu.memory_space<vmem>>
    %dma_start3A_54 = tpu.memref_squeeze %dma_start3A_53 : memref<1x8xi32, #tpu.memory_space<vmem>> -> memref<8xi32, #tpu.memory_space<vmem>>
    %dma_start3A_55 = arith.constant 0 : i32
    %dma_start3A_56 = arith.constant 0 : i32
    %dma_start3A_57 = tpu.memref_slice %arg2[%dma_start3A_55, %dma_start3A_56] : memref<8192x1024xf32, #tpu.memory_space<hbm>> -> memref<8192x1024xf32, #tpu.memory_space<hbm>>
    tpu.enqueue_indirect_dma source(%dma_start3A_57 : memref<8192x1024xf32, #tpu.memory_space<hbm>>) target(%arg13 : memref<8x1024xf32, #tpu.memory_space<vmem>>) offsets(%dma_start3A_54 : memref<8xi32, #tpu.memory_space<vmem>>) semaphore(%arg21 : memref<!tpu.dma_semaphore, #tpu.memory_space<semaphore_mem>>)
    %scan3A = arith.constant 0 : i32
    %scan3A_58 = arith.constant 0 : i32
    %scan3A_59 = arith.constant 16 : i32
    %scan3A_60 = arith.addi %scan3A_58, %scan3A_59 : i32
    %scan3A_61 = arith.constant 1 : i32
    scf.for %scan3A_63 = %scan3A_58 to %scan3A_60 step %scan3A_61  : i32 {
      %mul3A_64 = arith.constant 8 : i32
      %mul3A_65 = arith.muli %scan3A_63, %mul3A_64 : i32
      %dma_wait3A = arith.constant 0 : i32
      %dma_wait3A_66 = arith.constant 0 : i32
      %dma_wait3A_67 = tpu.memref_slice %arg5[%dma_wait3A, %dma_wait3A_66] : memref<128x8xi32, #tpu.memory_space<vmem>> -> memref<1x8xi32, #tpu.memory_space<vmem>>
      %dma_wait3A_68 = tpu.memref_squeeze %dma_wait3A_67 : memref<1x8xi32, #tpu.memory_space<vmem>> -> memref<8xi32, #tpu.memory_space<vmem>>
      %dma_wait3A_69 = arith.constant 0 : i32
      %dma_wait3A_70 = arith.constant 0 : i32
      %dma_wait3A_71 = tpu.memref_slice %arg2[%dma_wait3A_69, %dma_wait3A_70] : memref<8192x1024xf32, #tpu.memory_space<hbm>> -> memref<8192x1024xf32, #tpu.memory_space<hbm>>
      tpu.wait_indirect_dma semaphore(%arg14 : memref<!tpu.dma_semaphore, #tpu.memory_space<semaphore_mem>>) src(%dma_wait3A_71 : memref<8192x1024xf32, #tpu.memory_space<hbm>>) dst(%arg6 : memref<8x1024xf32, #tpu.memory_space<vmem>>)
      %add3A_72 = arith.constant 0 : i32
      %add3A_73 = arith.addi %mul3A_65, %add3A_72 : i32
      %mul3A_74 = arith.constant 8 : i32
      %mul3A_75 = arith.muli %add3A_73, %mul3A_74 : i32
      %add3A_76 = arith.addi %mul3A_2, %mul3A_75 : i32
      %dma_start3A_77 = arith.constant 0 : i32
      %dma_start3A_78 = tpu.memref_slice %arg4[%add3A_76, %dma_start3A_77] : memref<32768x1024xf32, #tpu.memory_space<hbm>> -> memref<8x1024xf32, #tpu.memory_space<hbm>>
      %dma_start3A_79 = arith.constant 0 : i32
      %dma_start3A_80 = tpu.memref_slice %arg4[%add3A_76, %dma_start3A_79] : memref<32768x1024xf32, #tpu.memory_space<hbm>> -> memref<8x1024xf32, #tpu.memory_space<hbm>>
      tpu.enqueue_dma source(%arg6 : memref<8x1024xf32, #tpu.memory_space<vmem>>) target(%dma_start3A_80 : memref<8x1024xf32, #tpu.memory_space<hbm>>) target_semaphore(%arg22 : memref<!tpu.dma_semaphore, #tpu.memory_space<semaphore_mem>>)
      %dma_wait3A_81 = arith.constant 0 : i32
      %dma_wait3A_82 = arith.constant 0 : i32
      %dma_wait3A_83 = tpu.memref_slice %arg5[%dma_wait3A_81, %dma_wait3A_82] : memref<128x8xi32, #tpu.memory_space<vmem>> -> memref<1x8xi32, #tpu.memory_space<vmem>>
      %dma_wait3A_84 = tpu.memref_squeeze %dma_wait3A_83 : memref<1x8xi32, #tpu.memory_space<vmem>> -> memref<8xi32, #tpu.memory_space<vmem>>
      %dma_wait3A_85 = arith.constant 0 : i32
      %dma_wait3A_86 = arith.constant 0 : i32
      %dma_wait3A_87 = tpu.memref_slice %arg2[%dma_wait3A_85, %dma_wait3A_86] : memref<8192x1024xf32, #tpu.memory_space<hbm>> -> memref<8192x1024xf32, #tpu.memory_space<hbm>>
      tpu.wait_indirect_dma semaphore(%arg15 : memref<!tpu.dma_semaphore, #tpu.memory_space<semaphore_mem>>) src(%dma_wait3A_87 : memref<8192x1024xf32, #tpu.memory_space<hbm>>) dst(%arg7 : memref<8x1024xf32, #tpu.memory_space<vmem>>)
      %add3A_88 = arith.constant 1 : i32
      %add3A_89 = arith.addi %mul3A_65, %add3A_88 : i32
      %mul3A_90 = arith.constant 8 : i32
      %mul3A_91 = arith.muli %add3A_89, %mul3A_90 : i32
      %add3A_92 = arith.addi %mul3A_2, %mul3A_91 : i32
      %dma_start3A_93 = arith.constant 0 : i32
      %dma_start3A_94 = tpu.memref_slice %arg4[%add3A_92, %dma_start3A_93] : memref<32768x1024xf32, #tpu.memory_space<hbm>> -> memref<8x1024xf32, #tpu.memory_space<hbm>>
      %dma_start3A_95 = arith.constant 0 : i32
      %dma_start3A_96 = tpu.memref_slice %arg4[%add3A_92, %dma_start3A_95] : memref<32768x1024xf32, #tpu.memory_space<hbm>> -> memref<8x1024xf32, #tpu.memory_space<hbm>>
      tpu.enqueue_dma source(%arg7 : memref<8x1024xf32, #tpu.memory_space<vmem>>) target(%dma_start3A_96 : memref<8x1024xf32, #tpu.memory_space<hbm>>) target_semaphore(%arg23 : memref<!tpu.dma_semaphore, #tpu.memory_space<semaphore_mem>>)
      %dma_wait3A_97 = arith.constant 0 : i32
      %dma_wait3A_98 = arith.constant 0 : i32
      %dma_wait3A_99 = tpu.memref_slice %arg5[%dma_wait3A_97, %dma_wait3A_98] : memref<128x8xi32, #tpu.memory_space<vmem>> -> memref<1x8xi32, #tpu.memory_space<vmem>>
      %dma_wait3A_100 = tpu.memref_squeeze %dma_wait3A_99 : memref<1x8xi32, #tpu.memory_space<vmem>> -> memref<8xi32, #tpu.memory_space<vmem>>
      %dma_wait3A_101 = arith.constant 0 : i32
      %dma_wait3A_102 = arith.constant 0 : i32
      %dma_wait3A_103 = tpu.memref_slice %arg2[%dma_wait3A_101, %dma_wait3A_102] : memref<8192x1024xf32, #tpu.memory_space<hbm>> -> memref<8192x1024xf32, #tpu.memory_space<hbm>>
      tpu.wait_indirect_dma semaphore(%arg16 : memref<!tpu.dma_semaphore, #tpu.memory_space<semaphore_mem>>) src(%dma_wait3A_103 : memref<8192x1024xf32, #tpu.memory_space<hbm>>) dst(%arg8 : memref<8x1024xf32, #tpu.memory_space<vmem>>)
      %add3A_104 = arith.constant 2 : i32
      %add3A_105 = arith.addi %mul3A_65, %add3A_104 : i32
      %mul3A_106 = arith.constant 8 : i32
      %mul3A_107 = arith.muli %add3A_105, %mul3A_106 : i32
      %add3A_108 = arith.addi %mul3A_2, %mul3A_107 : i32
      %dma_start3A_109 = arith.constant 0 : i32
      %dma_start3A_110 = tpu.memref_slice %arg4[%add3A_108, %dma_start3A_109] : memref<32768x1024xf32, #tpu.memory_space<hbm>> -> memref<8x1024xf32, #tpu.memory_space<hbm>>
      %dma_start3A_111 = arith.constant 0 : i32
      %dma_start3A_112 = tpu.memref_slice %arg4[%add3A_108, %dma_start3A_111] : memref<32768x1024xf32, #tpu.memory_space<hbm>> -> memref<8x1024xf32, #tpu.memory_space<hbm>>
      tpu.enqueue_dma source(%arg8 : memref<8x1024xf32, #tpu.memory_space<vmem>>) target(%dma_start3A_112 : memref<8x1024xf32, #tpu.memory_space<hbm>>) target_semaphore(%arg24 : memref<!tpu.dma_semaphore, #tpu.memory_space<semaphore_mem>>)
      %dma_wait3A_113 = arith.constant 0 : i32
      %dma_wait3A_114 = arith.constant 0 : i32
      %dma_wait3A_115 = tpu.memref_slice %arg5[%dma_wait3A_113, %dma_wait3A_114] : memref<128x8xi32, #tpu.memory_space<vmem>> -> memref<1x8xi32, #tpu.memory_space<vmem>>
      %dma_wait3A_116 = tpu.memref_squeeze %dma_wait3A_115 : memref<1x8xi32, #tpu.memory_space<vmem>> -> memref<8xi32, #tpu.memory_space<vmem>>
      %dma_wait3A_117 = arith.constant 0 : i32
      %dma_wait3A_118 = arith.constant 0 : i32
      %dma_wait3A_119 = tpu.memref_slice %arg2[%dma_wait3A_117, %dma_wait3A_118] : memref<8192x1024xf32, #tpu.memory_space<hbm>> -> memref<8192x1024xf32, #tpu.memory_space<hbm>>
      tpu.wait_indirect_dma semaphore(%arg17 : memref<!tpu.dma_semaphore, #tpu.memory_space<semaphore_mem>>) src(%dma_wait3A_119 : memref<8192x1024xf32, #tpu.memory_space<hbm>>) dst(%arg9 : memref<8x1024xf32, #tpu.memory_space<vmem>>)
      %add3A_120 = arith.constant 3 : i32
      %add3A_121 = arith.addi %mul3A_65, %add3A_120 : i32
      %mul3A_122 = arith.constant 8 : i32
      %mul3A_123 = arith.muli %add3A_121, %mul3A_122 : i32
      %add3A_124 = arith.addi %mul3A_2, %mul3A_123 : i32
      %dma_start3A_125 = arith.constant 0 : i32
      %dma_start3A_126 = tpu.memref_slice %arg4[%add3A_124, %dma_start3A_125] : memref<32768x1024xf32, #tpu.memory_space<hbm>> -> memref<8x1024xf32, #tpu.memory_space<hbm>>
      %dma_start3A_127 = arith.constant 0 : i32
      %dma_start3A_128 = tpu.memref_slice %arg4[%add3A_124, %dma_start3A_127] : memref<32768x1024xf32, #tpu.memory_space<hbm>> -> memref<8x1024xf32, #tpu.memory_space<hbm>>
      tpu.enqueue_dma source(%arg9 : memref<8x1024xf32, #tpu.memory_space<vmem>>) target(%dma_start3A_128 : memref<8x1024xf32, #tpu.memory_space<hbm>>) target_semaphore(%arg25 : memref<!tpu.dma_semaphore, #tpu.memory_space<semaphore_mem>>)
      %dma_wait3A_129 = arith.constant 0 : i32
      %dma_wait3A_130 = arith.constant 0 : i32
      %dma_wait3A_131 = tpu.memref_slice %arg5[%dma_wait3A_129, %dma_wait3A_130] : memref<128x8xi32, #tpu.memory_space<vmem>> -> memref<1x8xi32, #tpu.memory_space<vmem>>
      %dma_wait3A_132 = tpu.memref_squeeze %dma_wait3A_131 : memref<1x8xi32, #tpu.memory_space<vmem>> -> memref<8xi32, #tpu.memory_space<vmem>>
      %dma_wait3A_133 = arith.constant 0 : i32
      %dma_wait3A_134 = arith.constant 0 : i32
      %dma_wait3A_135 = tpu.memref_slice %arg2[%dma_wait3A_133, %dma_wait3A_134] : memref<8192x1024xf32, #tpu.memory_space<hbm>> -> memref<8192x1024xf32, #tpu.memory_space<hbm>>
      tpu.wait_indirect_dma semaphore(%arg18 : memref<!tpu.dma_semaphore, #tpu.memory_space<semaphore_mem>>) src(%dma_wait3A_135 : memref<8192x1024xf32, #tpu.memory_space<hbm>>) dst(%arg10 : memref<8x1024xf32, #tpu.memory_space<vmem>>)
      %add3A_136 = arith.constant 4 : i32
      %add3A_137 = arith.addi %mul3A_65, %add3A_136 : i32
      %mul3A_138 = arith.constant 8 : i32
      %mul3A_139 = arith.muli %add3A_137, %mul3A_138 : i32
      %add3A_140 = arith.addi %mul3A_2, %mul3A_139 : i32
      %dma_start3A_141 = arith.constant 0 : i32
      %dma_start3A_142 = tpu.memref_slice %arg4[%add3A_140, %dma_start3A_141] : memref<32768x1024xf32, #tpu.memory_space<hbm>> -> memref<8x1024xf32, #tpu.memory_space<hbm>>
      %dma_start3A_143 = arith.constant 0 : i32
      %dma_start3A_144 = tpu.memref_slice %arg4[%add3A_140, %dma_start3A_143] : memref<32768x1024xf32, #tpu.memory_space<hbm>> -> memref<8x1024xf32, #tpu.memory_space<hbm>>
      tpu.enqueue_dma source(%arg10 : memref<8x1024xf32, #tpu.memory_space<vmem>>) target(%dma_start3A_144 : memref<8x1024xf32, #tpu.memory_space<hbm>>) target_semaphore(%arg26 : memref<!tpu.dma_semaphore, #tpu.memory_space<semaphore_mem>>)
      %dma_wait3A_145 = arith.constant 0 : i32
      %dma_wait3A_146 = arith.constant 0 : i32
      %dma_wait3A_147 = tpu.memref_slice %arg5[%dma_wait3A_145, %dma_wait3A_146] : memref<128x8xi32, #tpu.memory_space<vmem>> -> memref<1x8xi32, #tpu.memory_space<vmem>>
      %dma_wait3A_148 = tpu.memref_squeeze %dma_wait3A_147 : memref<1x8xi32, #tpu.memory_space<vmem>> -> memref<8xi32, #tpu.memory_space<vmem>>
      %dma_wait3A_149 = arith.constant 0 : i32
      %dma_wait3A_150 = arith.constant 0 : i32
      %dma_wait3A_151 = tpu.memref_slice %arg2[%dma_wait3A_149, %dma_wait3A_150] : memref<8192x1024xf32, #tpu.memory_space<hbm>> -> memref<8192x1024xf32, #tpu.memory_space<hbm>>
      tpu.wait_indirect_dma semaphore(%arg19 : memref<!tpu.dma_semaphore, #tpu.memory_space<semaphore_mem>>) src(%dma_wait3A_151 : memref<8192x1024xf32, #tpu.memory_space<hbm>>) dst(%arg11 : memref<8x1024xf32, #tpu.memory_space<vmem>>)
      %add3A_152 = arith.constant 5 : i32
      %add3A_153 = arith.addi %mul3A_65, %add3A_152 : i32
      %mul3A_154 = arith.constant 8 : i32
      %mul3A_155 = arith.muli %add3A_153, %mul3A_154 : i32
      %add3A_156 = arith.addi %mul3A_2, %mul3A_155 : i32
      %dma_start3A_157 = arith.constant 0 : i32
      %dma_start3A_158 = tpu.memref_slice %arg4[%add3A_156, %dma_start3A_157] : memref<32768x1024xf32, #tpu.memory_space<hbm>> -> memref<8x1024xf32, #tpu.memory_space<hbm>>
      %dma_start3A_159 = arith.constant 0 : i32
      %dma_start3A_160 = tpu.memref_slice %arg4[%add3A_156, %dma_start3A_159] : memref<32768x1024xf32, #tpu.memory_space<hbm>> -> memref<8x1024xf32, #tpu.memory_space<hbm>>
      tpu.enqueue_dma source(%arg11 : memref<8x1024xf32, #tpu.memory_space<vmem>>) target(%dma_start3A_160 : memref<8x1024xf32, #tpu.memory_space<hbm>>) target_semaphore(%arg27 : memref<!tpu.dma_semaphore, #tpu.memory_space<semaphore_mem>>)
      %dma_wait3A_161 = arith.constant 0 : i32
      %dma_wait3A_162 = arith.constant 0 : i32
      %dma_wait3A_163 = tpu.memref_slice %arg5[%dma_wait3A_161, %dma_wait3A_162] : memref<128x8xi32, #tpu.memory_space<vmem>> -> memref<1x8xi32, #tpu.memory_space<vmem>>
      %dma_wait3A_164 = tpu.memref_squeeze %dma_wait3A_163 : memref<1x8xi32, #tpu.memory_space<vmem>> -> memref<8xi32, #tpu.memory_space<vmem>>
      %dma_wait3A_165 = arith.constant 0 : i32
      %dma_wait3A_166 = arith.constant 0 : i32
      %dma_wait3A_167 = tpu.memref_slice %arg2[%dma_wait3A_165, %dma_wait3A_166] : memref<8192x1024xf32, #tpu.memory_space<hbm>> -> memref<8192x1024xf32, #tpu.memory_space<hbm>>
      tpu.wait_indirect_dma semaphore(%arg20 : memref<!tpu.dma_semaphore, #tpu.memory_space<semaphore_mem>>) src(%dma_wait3A_167 : memref<8192x1024xf32, #tpu.memory_space<hbm>>) dst(%arg12 : memref<8x1024xf32, #tpu.memory_space<vmem>>)
      %add3A_168 = arith.constant 6 : i32
      %add3A_169 = arith.addi %mul3A_65, %add3A_168 : i32
      %mul3A_170 = arith.constant 8 : i32
      %mul3A_171 = arith.muli %add3A_169, %mul3A_170 : i32
      %add3A_172 = arith.addi %mul3A_2, %mul3A_171 : i32
      %dma_start3A_173 = arith.constant 0 : i32
      %dma_start3A_174 = tpu.memref_slice %arg4[%add3A_172, %dma_start3A_173] : memref<32768x1024xf32, #tpu.memory_space<hbm>> -> memref<8x1024xf32, #tpu.memory_space<hbm>>
      %dma_start3A_175 = arith.constant 0 : i32
      %dma_start3A_176 = tpu.memref_slice %arg4[%add3A_172, %dma_start3A_175] : memref<32768x1024xf32, #tpu.memory_space<hbm>> -> memref<8x1024xf32, #tpu.memory_space<hbm>>
      tpu.enqueue_dma source(%arg12 : memref<8x1024xf32, #tpu.memory_space<vmem>>) target(%dma_start3A_176 : memref<8x1024xf32, #tpu.memory_space<hbm>>) target_semaphore(%arg28 : memref<!tpu.dma_semaphore, #tpu.memory_space<semaphore_mem>>)
      %dma_wait3A_177 = arith.constant 0 : i32
      %dma_wait3A_178 = arith.constant 0 : i32
      %dma_wait3A_179 = tpu.memref_slice %arg5[%dma_wait3A_177, %dma_wait3A_178] : memref<128x8xi32, #tpu.memory_space<vmem>> -> memref<1x8xi32, #tpu.memory_space<vmem>>
      %dma_wait3A_180 = tpu.memref_squeeze %dma_wait3A_179 : memref<1x8xi32, #tpu.memory_space<vmem>> -> memref<8xi32, #tpu.memory_space<vmem>>
      %dma_wait3A_181 = arith.constant 0 : i32
      %dma_wait3A_182 = arith.constant 0 : i32
      %dma_wait3A_183 = tpu.memref_slice %arg2[%dma_wait3A_181, %dma_wait3A_182] : memref<8192x1024xf32, #tpu.memory_space<hbm>> -> memref<8192x1024xf32, #tpu.memory_space<hbm>>
      tpu.wait_indirect_dma semaphore(%arg21 : memref<!tpu.dma_semaphore, #tpu.memory_space<semaphore_mem>>) src(%dma_wait3A_183 : memref<8192x1024xf32, #tpu.memory_space<hbm>>) dst(%arg13 : memref<8x1024xf32, #tpu.memory_space<vmem>>)
      %add3A_184 = arith.constant 7 : i32
      %add3A_185 = arith.addi %mul3A_65, %add3A_184 : i32
      %mul3A_186 = arith.constant 8 : i32
      %mul3A_187 = arith.muli %add3A_185, %mul3A_186 : i32
      %add3A_188 = arith.addi %mul3A_2, %mul3A_187 : i32
      %dma_start3A_189 = arith.constant 0 : i32
      %dma_start3A_190 = tpu.memref_slice %arg4[%add3A_188, %dma_start3A_189] : memref<32768x1024xf32, #tpu.memory_space<hbm>> -> memref<8x1024xf32, #tpu.memory_space<hbm>>
      %dma_start3A_191 = arith.constant 0 : i32
      %dma_start3A_192 = tpu.memref_slice %arg4[%add3A_188, %dma_start3A_191] : memref<32768x1024xf32, #tpu.memory_space<hbm>> -> memref<8x1024xf32, #tpu.memory_space<hbm>>
      tpu.enqueue_dma source(%arg13 : memref<8x1024xf32, #tpu.memory_space<vmem>>) target(%dma_start3A_192 : memref<8x1024xf32, #tpu.memory_space<hbm>>) target_semaphore(%arg29 : memref<!tpu.dma_semaphore, #tpu.memory_space<semaphore_mem>>)
      %dma_wait3A_193 = arith.constant 0 : i32
      %dma_wait3A_194 = arith.constant 0 : i32
      %dma_wait3A_195 = tpu.memref_slice %arg5[%dma_wait3A_193, %dma_wait3A_194] : memref<128x8xi32, #tpu.memory_space<vmem>> -> memref<1x8xi32, #tpu.memory_space<vmem>>
      %dma_wait3A_196 = tpu.memref_squeeze %dma_wait3A_195 : memref<1x8xi32, #tpu.memory_space<vmem>> -> memref<8xi32, #tpu.memory_space<vmem>>
      %dma_wait3A_197 = arith.constant 0 : i32
      %dma_wait3A_198 = arith.constant 0 : i32
      %dma_wait3A_199 = tpu.memref_slice %arg2[%dma_wait3A_197, %dma_wait3A_198] : memref<8192x1024xf32, #tpu.memory_space<hbm>> -> memref<8192x1024xf32, #tpu.memory_space<hbm>>
      tpu.wait_indirect_dma semaphore(%arg22 : memref<!tpu.dma_semaphore, #tpu.memory_space<semaphore_mem>>) src(%dma_wait3A_199 : memref<8192x1024xf32, #tpu.memory_space<hbm>>) dst(%arg6 : memref<8x1024xf32, #tpu.memory_space<vmem>>)
      %add3A_200 = arith.constant 1 : i32
      %add3A_201 = arith.addi %scan3A_63, %add3A_200 : i32
      %lt3A = arith.constant 16 : i32
      %lt3A_202 = arith.cmpi slt, %add3A_201, %lt3A : i32
      %convert_element_type3A = arith.extui %lt3A_202 : i1 to i32
      %cond3A = arith.constant 0 : i32
      %cond3A_203 = arith.cmpi ne, %convert_element_type3A, %cond3A : i32
      scf.if %cond3A_203 {
        %add3A_302 = arith.constant 8 : i32
        %add3A_303 = arith.addi %mul3A_65, %add3A_302 : i32
        %add3A_304 = arith.constant 0 : i32
        %add3A_305 = arith.addi %add3A_303, %add3A_304 : i32
        %dma_start3A_306 = arith.constant 0 : i32
        %dma_start3A_307 = tpu.memref_slice %arg5[%add3A_305, %dma_start3A_306] : memref<128x8xi32, #tpu.memory_space<vmem>> -> memref<1x8xi32, #tpu.memory_space<vmem>>
        %dma_start3A_308 = tpu.memref_squeeze %dma_start3A_307 : memref<1x8xi32, #tpu.memory_space<vmem>> -> memref<8xi32, #tpu.memory_space<vmem>>
        %dma_start3A_309 = arith.constant 0 : i32
        %dma_start3A_310 = arith.constant 0 : i32
        %dma_start3A_311 = tpu.memref_slice %arg2[%dma_start3A_309, %dma_start3A_310] : memref<8192x1024xf32, #tpu.memory_space<hbm>> -> memref<8192x1024xf32, #tpu.memory_space<hbm>>
        tpu.enqueue_indirect_dma source(%dma_start3A_311 : memref<8192x1024xf32, #tpu.memory_space<hbm>>) target(%arg6 : memref<8x1024xf32, #tpu.memory_space<vmem>>) offsets(%dma_start3A_308 : memref<8xi32, #tpu.memory_space<vmem>>) semaphore(%arg14 : memref<!tpu.dma_semaphore, #tpu.memory_space<semaphore_mem>>)
      } else {
      }
      %dma_wait3A_204 = arith.constant 0 : i32
      %dma_wait3A_205 = arith.constant 0 : i32
      %dma_wait3A_206 = tpu.memref_slice %arg5[%dma_wait3A_204, %dma_wait3A_205] : memref<128x8xi32, #tpu.memory_space<vmem>> -> memref<1x8xi32, #tpu.memory_space<vmem>>
      %dma_wait3A_207 = tpu.memref_squeeze %dma_wait3A_206 : memref<1x8xi32, #tpu.memory_space<vmem>> -> memref<8xi32, #tpu.memory_space<vmem>>
      %dma_wait3A_208 = arith.constant 0 : i32
      %dma_wait3A_209 = arith.constant 0 : i32
      %dma_wait3A_210 = tpu.memref_slice %arg2[%dma_wait3A_208, %dma_wait3A_209] : memref<8192x1024xf32, #tpu.memory_space<hbm>> -> memref<8192x1024xf32, #tpu.memory_space<hbm>>
      tpu.wait_indirect_dma semaphore(%arg23 : memref<!tpu.dma_semaphore, #tpu.memory_space<semaphore_mem>>) src(%dma_wait3A_210 : memref<8192x1024xf32, #tpu.memory_space<hbm>>) dst(%arg7 : memref<8x1024xf32, #tpu.memory_space<vmem>>)
      %add3A_211 = arith.constant 1 : i32
      %add3A_212 = arith.addi %scan3A_63, %add3A_211 : i32
      %lt3A_213 = arith.constant 16 : i32
      %lt3A_214 = arith.cmpi slt, %add3A_212, %lt3A_213 : i32
      %convert_element_type3A_215 = arith.extui %lt3A_214 : i1 to i32
      %cond3A_216 = arith.constant 0 : i32
      %cond3A_217 = arith.cmpi ne, %convert_element_type3A_215, %cond3A_216 : i32
      scf.if %cond3A_217 {
        %add3A_302 = arith.constant 8 : i32
        %add3A_303 = arith.addi %mul3A_65, %add3A_302 : i32
        %add3A_304 = arith.constant 1 : i32
        %add3A_305 = arith.addi %add3A_303, %add3A_304 : i32
        %dma_start3A_306 = arith.constant 0 : i32
        %dma_start3A_307 = tpu.memref_slice %arg5[%add3A_305, %dma_start3A_306] : memref<128x8xi32, #tpu.memory_space<vmem>> -> memref<1x8xi32, #tpu.memory_space<vmem>>
        %dma_start3A_308 = tpu.memref_squeeze %dma_start3A_307 : memref<1x8xi32, #tpu.memory_space<vmem>> -> memref<8xi32, #tpu.memory_space<vmem>>
        %dma_start3A_309 = arith.constant 0 : i32
        %dma_start3A_310 = arith.constant 0 : i32
        %dma_start3A_311 = tpu.memref_slice %arg2[%dma_start3A_309, %dma_start3A_310] : memref<8192x1024xf32, #tpu.memory_space<hbm>> -> memref<8192x1024xf32, #tpu.memory_space<hbm>>
        tpu.enqueue_indirect_dma source(%dma_start3A_311 : memref<8192x1024xf32, #tpu.memory_space<hbm>>) target(%arg7 : memref<8x1024xf32, #tpu.memory_space<vmem>>) offsets(%dma_start3A_308 : memref<8xi32, #tpu.memory_space<vmem>>) semaphore(%arg15 : memref<!tpu.dma_semaphore, #tpu.memory_space<semaphore_mem>>)
      } else {
      }
      %dma_wait3A_218 = arith.constant 0 : i32
      %dma_wait3A_219 = arith.constant 0 : i32
      %dma_wait3A_220 = tpu.memref_slice %arg5[%dma_wait3A_218, %dma_wait3A_219] : memref<128x8xi32, #tpu.memory_space<vmem>> -> memref<1x8xi32, #tpu.memory_space<vmem>>
      %dma_wait3A_221 = tpu.memref_squeeze %dma_wait3A_220 : memref<1x8xi32, #tpu.memory_space<vmem>> -> memref<8xi32, #tpu.memory_space<vmem>>
      %dma_wait3A_222 = arith.constant 0 : i32
      %dma_wait3A_223 = arith.constant 0 : i32
      %dma_wait3A_224 = tpu.memref_slice %arg2[%dma_wait3A_222, %dma_wait3A_223] : memref<8192x1024xf32, #tpu.memory_space<hbm>> -> memref<8192x1024xf32, #tpu.memory_space<hbm>>
      tpu.wait_indirect_dma semaphore(%arg24 : memref<!tpu.dma_semaphore, #tpu.memory_space<semaphore_mem>>) src(%dma_wait3A_224 : memref<8192x1024xf32, #tpu.memory_space<hbm>>) dst(%arg8 : memref<8x1024xf32, #tpu.memory_space<vmem>>)
      %add3A_225 = arith.constant 1 : i32
      %add3A_226 = arith.addi %scan3A_63, %add3A_225 : i32
      %lt3A_227 = arith.constant 16 : i32
      %lt3A_228 = arith.cmpi slt, %add3A_226, %lt3A_227 : i32
      %convert_element_type3A_229 = arith.extui %lt3A_228 : i1 to i32
      %cond3A_230 = arith.constant 0 : i32
      %cond3A_231 = arith.cmpi ne, %convert_element_type3A_229, %cond3A_230 : i32
      scf.if %cond3A_231 {
        %add3A_302 = arith.constant 8 : i32
        %add3A_303 = arith.addi %mul3A_65, %add3A_302 : i32
        %add3A_304 = arith.constant 2 : i32
        %add3A_305 = arith.addi %add3A_303, %add3A_304 : i32
        %dma_start3A_306 = arith.constant 0 : i32
        %dma_start3A_307 = tpu.memref_slice %arg5[%add3A_305, %dma_start3A_306] : memref<128x8xi32, #tpu.memory_space<vmem>> -> memref<1x8xi32, #tpu.memory_space<vmem>>
        %dma_start3A_308 = tpu.memref_squeeze %dma_start3A_307 : memref<1x8xi32, #tpu.memory_space<vmem>> -> memref<8xi32, #tpu.memory_space<vmem>>
        %dma_start3A_309 = arith.constant 0 : i32
        %dma_start3A_310 = arith.constant 0 : i32
        %dma_start3A_311 = tpu.memref_slice %arg2[%dma_start3A_309, %dma_start3A_310] : memref<8192x1024xf32, #tpu.memory_space<hbm>> -> memref<8192x1024xf32, #tpu.memory_space<hbm>>
        tpu.enqueue_indirect_dma source(%dma_start3A_311 : memref<8192x1024xf32, #tpu.memory_space<hbm>>) target(%arg8 : memref<8x1024xf32, #tpu.memory_space<vmem>>) offsets(%dma_start3A_308 : memref<8xi32, #tpu.memory_space<vmem>>) semaphore(%arg16 : memref<!tpu.dma_semaphore, #tpu.memory_space<semaphore_mem>>)
      } else {
      }
      %dma_wait3A_232 = arith.constant 0 : i32
      %dma_wait3A_233 = arith.constant 0 : i32
      %dma_wait3A_234 = tpu.memref_slice %arg5[%dma_wait3A_232, %dma_wait3A_233] : memref<128x8xi32, #tpu.memory_space<vmem>> -> memref<1x8xi32, #tpu.memory_space<vmem>>
      %dma_wait3A_235 = tpu.memref_squeeze %dma_wait3A_234 : memref<1x8xi32, #tpu.memory_space<vmem>> -> memref<8xi32, #tpu.memory_space<vmem>>
      %dma_wait3A_236 = arith.constant 0 : i32
      %dma_wait3A_237 = arith.constant 0 : i32
      %dma_wait3A_238 = tpu.memref_slice %arg2[%dma_wait3A_236, %dma_wait3A_237] : memref<8192x1024xf32, #tpu.memory_space<hbm>> -> memref<8192x1024xf32, #tpu.memory_space<hbm>>
      tpu.wait_indirect_dma semaphore(%arg25 : memref<!tpu.dma_semaphore, #tpu.memory_space<semaphore_mem>>) src(%dma_wait3A_238 : memref<8192x1024xf32, #tpu.memory_space<hbm>>) dst(%arg9 : memref<8x1024xf32, #tpu.memory_space<vmem>>)
      %add3A_239 = arith.constant 1 : i32
      %add3A_240 = arith.addi %scan3A_63, %add3A_239 : i32
      %lt3A_241 = arith.constant 16 : i32
      %lt3A_242 = arith.cmpi slt, %add3A_240, %lt3A_241 : i32
      %convert_element_type3A_243 = arith.extui %lt3A_242 : i1 to i32
      %cond3A_244 = arith.constant 0 : i32
      %cond3A_245 = arith.cmpi ne, %convert_element_type3A_243, %cond3A_244 : i32
      scf.if %cond3A_245 {
        %add3A_302 = arith.constant 8 : i32
        %add3A_303 = arith.addi %mul3A_65, %add3A_302 : i32
        %add3A_304 = arith.constant 3 : i32
        %add3A_305 = arith.addi %add3A_303, %add3A_304 : i32
        %dma_start3A_306 = arith.constant 0 : i32
        %dma_start3A_307 = tpu.memref_slice %arg5[%add3A_305, %dma_start3A_306] : memref<128x8xi32, #tpu.memory_space<vmem>> -> memref<1x8xi32, #tpu.memory_space<vmem>>
        %dma_start3A_308 = tpu.memref_squeeze %dma_start3A_307 : memref<1x8xi32, #tpu.memory_space<vmem>> -> memref<8xi32, #tpu.memory_space<vmem>>
        %dma_start3A_309 = arith.constant 0 : i32
        %dma_start3A_310 = arith.constant 0 : i32
        %dma_start3A_311 = tpu.memref_slice %arg2[%dma_start3A_309, %dma_start3A_310] : memref<8192x1024xf32, #tpu.memory_space<hbm>> -> memref<8192x1024xf32, #tpu.memory_space<hbm>>
        tpu.enqueue_indirect_dma source(%dma_start3A_311 : memref<8192x1024xf32, #tpu.memory_space<hbm>>) target(%arg9 : memref<8x1024xf32, #tpu.memory_space<vmem>>) offsets(%dma_start3A_308 : memref<8xi32, #tpu.memory_space<vmem>>) semaphore(%arg17 : memref<!tpu.dma_semaphore, #tpu.memory_space<semaphore_mem>>)
      } else {
      }
      %dma_wait3A_246 = arith.constant 0 : i32
      %dma_wait3A_247 = arith.constant 0 : i32
      %dma_wait3A_248 = tpu.memref_slice %arg5[%dma_wait3A_246, %dma_wait3A_247] : memref<128x8xi32, #tpu.memory_space<vmem>> -> memref<1x8xi32, #tpu.memory_space<vmem>>
      %dma_wait3A_249 = tpu.memref_squeeze %dma_wait3A_248 : memref<1x8xi32, #tpu.memory_space<vmem>> -> memref<8xi32, #tpu.memory_space<vmem>>
      %dma_wait3A_250 = arith.constant 0 : i32
      %dma_wait3A_251 = arith.constant 0 : i32
      %dma_wait3A_252 = tpu.memref_slice %arg2[%dma_wait3A_250, %dma_wait3A_251] : memref<8192x1024xf32, #tpu.memory_space<hbm>> -> memref<8192x1024xf32, #tpu.memory_space<hbm>>
      tpu.wait_indirect_dma semaphore(%arg26 : memref<!tpu.dma_semaphore, #tpu.memory_space<semaphore_mem>>) src(%dma_wait3A_252 : memref<8192x1024xf32, #tpu.memory_space<hbm>>) dst(%arg10 : memref<8x1024xf32, #tpu.memory_space<vmem>>)
      %add3A_253 = arith.constant 1 : i32
      %add3A_254 = arith.addi %scan3A_63, %add3A_253 : i32
      %lt3A_255 = arith.constant 16 : i32
      %lt3A_256 = arith.cmpi slt, %add3A_254, %lt3A_255 : i32
      %convert_element_type3A_257 = arith.extui %lt3A_256 : i1 to i32
      %cond3A_258 = arith.constant 0 : i32
      %cond3A_259 = arith.cmpi ne, %convert_element_type3A_257, %cond3A_258 : i32
      scf.if %cond3A_259 {
        %add3A_302 = arith.constant 8 : i32
        %add3A_303 = arith.addi %mul3A_65, %add3A_302 : i32
        %add3A_304 = arith.constant 4 : i32
        %add3A_305 = arith.addi %add3A_303, %add3A_304 : i32
        %dma_start3A_306 = arith.constant 0 : i32
        %dma_start3A_307 = tpu.memref_slice %arg5[%add3A_305, %dma_start3A_306] : memref<128x8xi32, #tpu.memory_space<vmem>> -> memref<1x8xi32, #tpu.memory_space<vmem>>
        %dma_start3A_308 = tpu.memref_squeeze %dma_start3A_307 : memref<1x8xi32, #tpu.memory_space<vmem>> -> memref<8xi32, #tpu.memory_space<vmem>>
        %dma_start3A_309 = arith.constant 0 : i32
        %dma_start3A_310 = arith.constant 0 : i32
        %dma_start3A_311 = tpu.memref_slice %arg2[%dma_start3A_309, %dma_start3A_310] : memref<8192x1024xf32, #tpu.memory_space<hbm>> -> memref<8192x1024xf32, #tpu.memory_space<hbm>>
        tpu.enqueue_indirect_dma source(%dma_start3A_311 : memref<8192x1024xf32, #tpu.memory_space<hbm>>) target(%arg10 : memref<8x1024xf32, #tpu.memory_space<vmem>>) offsets(%dma_start3A_308 : memref<8xi32, #tpu.memory_space<vmem>>) semaphore(%arg18 : memref<!tpu.dma_semaphore, #tpu.memory_space<semaphore_mem>>)
      } else {
      }
      %dma_wait3A_260 = arith.constant 0 : i32
      %dma_wait3A_261 = arith.constant 0 : i32
      %dma_wait3A_262 = tpu.memref_slice %arg5[%dma_wait3A_260, %dma_wait3A_261] : memref<128x8xi32, #tpu.memory_space<vmem>> -> memref<1x8xi32, #tpu.memory_space<vmem>>
      %dma_wait3A_263 = tpu.memref_squeeze %dma_wait3A_262 : memref<1x8xi32, #tpu.memory_space<vmem>> -> memref<8xi32, #tpu.memory_space<vmem>>
      %dma_wait3A_264 = arith.constant 0 : i32
      %dma_wait3A_265 = arith.constant 0 : i32
      %dma_wait3A_266 = tpu.memref_slice %arg2[%dma_wait3A_264, %dma_wait3A_265] : memref<8192x1024xf32, #tpu.memory_space<hbm>> -> memref<8192x1024xf32, #tpu.memory_space<hbm>>
      tpu.wait_indirect_dma semaphore(%arg27 : memref<!tpu.dma_semaphore, #tpu.memory_space<semaphore_mem>>) src(%dma_wait3A_266 : memref<8192x1024xf32, #tpu.memory_space<hbm>>) dst(%arg11 : memref<8x1024xf32, #tpu.memory_space<vmem>>)
      %add3A_267 = arith.constant 1 : i32
      %add3A_268 = arith.addi %scan3A_63, %add3A_267 : i32
      %lt3A_269 = arith.constant 16 : i32
      %lt3A_270 = arith.cmpi slt, %add3A_268, %lt3A_269 : i32
      %convert_element_type3A_271 = arith.extui %lt3A_270 : i1 to i32
      %cond3A_272 = arith.constant 0 : i32
      %cond3A_273 = arith.cmpi ne, %convert_element_type3A_271, %cond3A_272 : i32
      scf.if %cond3A_273 {
        %add3A_302 = arith.constant 8 : i32
        %add3A_303 = arith.addi %mul3A_65, %add3A_302 : i32
        %add3A_304 = arith.constant 5 : i32
        %add3A_305 = arith.addi %add3A_303, %add3A_304 : i32
        %dma_start3A_306 = arith.constant 0 : i32
        %dma_start3A_307 = tpu.memref_slice %arg5[%add3A_305, %dma_start3A_306] : memref<128x8xi32, #tpu.memory_space<vmem>> -> memref<1x8xi32, #tpu.memory_space<vmem>>
        %dma_start3A_308 = tpu.memref_squeeze %dma_start3A_307 : memref<1x8xi32, #tpu.memory_space<vmem>> -> memref<8xi32, #tpu.memory_space<vmem>>
        %dma_start3A_309 = arith.constant 0 : i32
        %dma_start3A_310 = arith.constant 0 : i32
        %dma_start3A_311 = tpu.memref_slice %arg2[%dma_start3A_309, %dma_start3A_310] : memref<8192x1024xf32, #tpu.memory_space<hbm>> -> memref<8192x1024xf32, #tpu.memory_space<hbm>>
        tpu.enqueue_indirect_dma source(%dma_start3A_311 : memref<8192x1024xf32, #tpu.memory_space<hbm>>) target(%arg11 : memref<8x1024xf32, #tpu.memory_space<vmem>>) offsets(%dma_start3A_308 : memref<8xi32, #tpu.memory_space<vmem>>) semaphore(%arg19 : memref<!tpu.dma_semaphore, #tpu.memory_space<semaphore_mem>>)
      } else {
      }
      %dma_wait3A_274 = arith.constant 0 : i32
      %dma_wait3A_275 = arith.constant 0 : i32
      %dma_wait3A_276 = tpu.memref_slice %arg5[%dma_wait3A_274, %dma_wait3A_275] : memref<128x8xi32, #tpu.memory_space<vmem>> -> memref<1x8xi32, #tpu.memory_space<vmem>>
      %dma_wait3A_277 = tpu.memref_squeeze %dma_wait3A_276 : memref<1x8xi32, #tpu.memory_space<vmem>> -> memref<8xi32, #tpu.memory_space<vmem>>
      %dma_wait3A_278 = arith.constant 0 : i32
      %dma_wait3A_279 = arith.constant 0 : i32
      %dma_wait3A_280 = tpu.memref_slice %arg2[%dma_wait3A_278, %dma_wait3A_279] : memref<8192x1024xf32, #tpu.memory_space<hbm>> -> memref<8192x1024xf32, #tpu.memory_space<hbm>>
      tpu.wait_indirect_dma semaphore(%arg28 : memref<!tpu.dma_semaphore, #tpu.memory_space<semaphore_mem>>) src(%dma_wait3A_280 : memref<8192x1024xf32, #tpu.memory_space<hbm>>) dst(%arg12 : memref<8x1024xf32, #tpu.memory_space<vmem>>)
      %add3A_281 = arith.constant 1 : i32
      %add3A_282 = arith.addi %scan3A_63, %add3A_281 : i32
      %lt3A_283 = arith.constant 16 : i32
      %lt3A_284 = arith.cmpi slt, %add3A_282, %lt3A_283 : i32
      %convert_element_type3A_285 = arith.extui %lt3A_284 : i1 to i32
      %cond3A_286 = arith.constant 0 : i32
      %cond3A_287 = arith.cmpi ne, %convert_element_type3A_285, %cond3A_286 : i32
      scf.if %cond3A_287 {
        %add3A_302 = arith.constant 8 : i32
        %add3A_303 = arith.addi %mul3A_65, %add3A_302 : i32
        %add3A_304 = arith.constant 6 : i32
        %add3A_305 = arith.addi %add3A_303, %add3A_304 : i32
        %dma_start3A_306 = arith.constant 0 : i32
        %dma_start3A_307 = tpu.memref_slice %arg5[%add3A_305, %dma_start3A_306] : memref<128x8xi32, #tpu.memory_space<vmem>> -> memref<1x8xi32, #tpu.memory_space<vmem>>
        %dma_start3A_308 = tpu.memref_squeeze %dma_start3A_307 : memref<1x8xi32, #tpu.memory_space<vmem>> -> memref<8xi32, #tpu.memory_space<vmem>>
        %dma_start3A_309 = arith.constant 0 : i32
        %dma_start3A_310 = arith.constant 0 : i32
        %dma_start3A_311 = tpu.memref_slice %arg2[%dma_start3A_309, %dma_start3A_310] : memref<8192x1024xf32, #tpu.memory_space<hbm>> -> memref<8192x1024xf32, #tpu.memory_space<hbm>>
        tpu.enqueue_indirect_dma source(%dma_start3A_311 : memref<8192x1024xf32, #tpu.memory_space<hbm>>) target(%arg12 : memref<8x1024xf32, #tpu.memory_space<vmem>>) offsets(%dma_start3A_308 : memref<8xi32, #tpu.memory_space<vmem>>) semaphore(%arg20 : memref<!tpu.dma_semaphore, #tpu.memory_space<semaphore_mem>>)
      } else {
      }
      %dma_wait3A_288 = arith.constant 0 : i32
      %dma_wait3A_289 = arith.constant 0 : i32
      %dma_wait3A_290 = tpu.memref_slice %arg5[%dma_wait3A_288, %dma_wait3A_289] : memref<128x8xi32, #tpu.memory_space<vmem>> -> memref<1x8xi32, #tpu.memory_space<vmem>>
      %dma_wait3A_291 = tpu.memref_squeeze %dma_wait3A_290 : memref<1x8xi32, #tpu.memory_space<vmem>> -> memref<8xi32, #tpu.memory_space<vmem>>
      %dma_wait3A_292 = arith.constant 0 : i32
      %dma_wait3A_293 = arith.constant 0 : i32
      %dma_wait3A_294 = tpu.memref_slice %arg2[%dma_wait3A_292, %dma_wait3A_293] : memref<8192x1024xf32, #tpu.memory_space<hbm>> -> memref<8192x1024xf32, #tpu.memory_space<hbm>>
      tpu.wait_indirect_dma semaphore(%arg29 : memref<!tpu.dma_semaphore, #tpu.memory_space<semaphore_mem>>) src(%dma_wait3A_294 : memref<8192x1024xf32, #tpu.memory_space<hbm>>) dst(%arg13 : memref<8x1024xf32, #tpu.memory_space<vmem>>)
      %add3A_295 = arith.constant 1 : i32
      %add3A_296 = arith.addi %scan3A_63, %add3A_295 : i32
      %lt3A_297 = arith.constant 16 : i32
      %lt3A_298 = arith.cmpi slt, %add3A_296, %lt3A_297 : i32
      %convert_element_type3A_299 = arith.extui %lt3A_298 : i1 to i32
      %cond3A_300 = arith.constant 0 : i32
      %cond3A_301 = arith.cmpi ne, %convert_element_type3A_299, %cond3A_300 : i32
      scf.if %cond3A_301 {
        %add3A_302 = arith.constant 8 : i32
        %add3A_303 = arith.addi %mul3A_65, %add3A_302 : i32
        %add3A_304 = arith.constant 7 : i32
        %add3A_305 = arith.addi %add3A_303, %add3A_304 : i32
        %dma_start3A_306 = arith.constant 0 : i32
        %dma_start3A_307 = tpu.memref_slice %arg5[%add3A_305, %dma_start3A_306] : memref<128x8xi32, #tpu.memory_space<vmem>> -> memref<1x8xi32, #tpu.memory_space<vmem>>
        %dma_start3A_308 = tpu.memref_squeeze %dma_start3A_307 : memref<1x8xi32, #tpu.memory_space<vmem>> -> memref<8xi32, #tpu.memory_space<vmem>>
        %dma_start3A_309 = arith.constant 0 : i32
        %dma_start3A_310 = arith.constant 0 : i32
        %dma_start3A_311 = tpu.memref_slice %arg2[%dma_start3A_309, %dma_start3A_310] : memref<8192x1024xf32, #tpu.memory_space<hbm>> -> memref<8192x1024xf32, #tpu.memory_space<hbm>>
        tpu.enqueue_indirect_dma source(%dma_start3A_311 : memref<8192x1024xf32, #tpu.memory_space<hbm>>) target(%arg13 : memref<8x1024xf32, #tpu.memory_space<vmem>>) offsets(%dma_start3A_308 : memref<8xi32, #tpu.memory_space<vmem>>) semaphore(%arg21 : memref<!tpu.dma_semaphore, #tpu.memory_space<semaphore_mem>>)
      } else {
      }
    }
    %scan3A_62 = arith.constant 16 : i32
    return
  }
}

</mosaic_0001>

<sc_bundles>
// kernel: _gather.3.cloned.1.call-start
scs
__scs_entry_jumppad:
0x0: {  	(pc) =	sbr.rel $0x88, $3  }
0x1: {  	(tag) =	ssettag $0x0;
	lr =	simm.s32 $0x1  }
0x2: {  	[smem:$0x3F9F] =	sst lr;
	_ =	strace $0xD0000000  }
0x3: {  	_ = 	snop  }
0x4: {  	_ = 	snop  }
0x5: {  	_ = 	snop  }
0x6: {  	_ = 	snop  }
0x7: {  	_ = 	snop  }
__scs_overlays_trampoline_lowered:
0x8: {  	[smem:$0x3FAE] =	sst s0  }
0x9: {  	[smem:$0x3FAF] =	sst s1  }
0xa: {  	[smem:$0x3FB0] =	sst s2  }
0xb: {  	[smem:$0x3FB1] =	sst s3  }
0xc: {  	[smem:$0x3FB2] =	sst s4  }
0xd: {  	[smem:$0x3FB3] =	sst s5  }
0xe: {  	[smem:$0x3FB4] =	sst s6  }
0xf: {  	[smem:$0x3FB5] =	sst s7  }
0x10: {  	[smem:$0x3FB6] =	sst s8  }
0x11: {  	[smem:$0x3FB7] =	sst s9;
	s0 =	simm.s32 @!p0 $0x0  }
0x12: {  	s1 =	sld [smem:$0x3F9D];
	s0 =	simm.s32 @p0 $0x1  }
0x13: {  	[smem:$0x3FB8] =	sst s0;
	s0 =	simm.s32 @!p1 $0x0  }
0x14: {  	s2 =	sld [smem:$0x3F9C];
	s0 =	simm.s32 @p1 $0x1  }
0x15: {  	[smem:$0x3FB9] =	sst s0;
	s0 =	simm.s32 @!p2 $0x0  }
0x16: {  	s3 =	sld [smem:$0x3FDB];
	s0 =	simm.s32 @p2 $0x1  }
0x17: {  	s4 =	simm.s32 $0x1BF5;
	[smem:$0x3FBB] =	sst s0  }
0x18: {  	s0 =	sld [smem:$0x3F9E];
	_ =	swait.ge [sflag:s4], $0x0  }
0x19: {  	s7 =	sld [smem:$0x3F9F]  }
0x1a: {  	s8 =	sadd.s32 $0xFFFFE003, lr  }
0x1b: {  	s9 =	sadd.s32 $0xFFFFFEF7, lr;
	s5 =	simm.s32 $0xFFFFFFFF;
	p2 =	slt.u32 s8, $0xFFFFF086  }
0x1c: {  	p1 =	slt.u32 s9, $0xF7A;
	s5 =	simm.s32 @!p2 $0x0  }
0x1d: {  	s5 =	simm.s32 @p1 $0x1;
	p0 =	seq.s32 s7, s2  }
0x1e: {  	s7 =	smul.u32 @!p0 $0xF7A, s2;
	p2 =	seq.s32 @!p0 s5, $0x0  }
0x1f: {  	s9 =	smul.u32 $0xF7A, s1;
	s8 =	simm.s32 @!p0 $0x1BF5;
	p2 =	por !p2, p0  }
0x20: {  	[sflag:s8] =	ssyncset.s32 @!p0 $0xFFFFF086;
	s6 =	sadd.s32 @!p0 s3, s7;
	s7 =	simm.s32 @!p0 $0x108  }
0x21: {  	s3 =	sadd.s32 s3, s9;
	s6 =	sadd.s32 @!p0 $0x88, s6;
	s7 =	simm.s32 @p2 $0x1082  }
0x22: {  	[simem:s7], [sflag:s8] =	dma.local @!p0 [hbm:s6], $0xF7A  }
0x23: {  	s9 =	sor.u32 $0xD0000000, s2;
	s6 =	simm.s32 $0x108;
	_ =	swait.ge @!p0 [sflag:s8], $0x0  }
0x24: {  	s3 =	sadd.s32 $0x88, s3;
	s6 =	simm.s32 @!p1 $0x1082;
	[sflag:s4] =	ssyncset.s32 $0xFFFFF086  }
0x25: {  	[simem:s6], [sflag:s4] =	dma.local [hbm:s3], $0xF7A  }
0x26: {  	[smem:$0x3F9F] =	sst s1;
	(tag) =	ssettag s2;
	_ =	strace s9  }
0x27: {  	s1 =	sld [smem:$0x3FAF]  }
0x28: {  	s2 =	sld [smem:$0x3FB0]  }
0x29: {  	s4 =	sld [smem:$0x3FB2]  }
0x2a: {  	p0 =	seq.s32 s5, $0x0;
	s5 =	sld [smem:$0x3FB3]  }
0x2b: {  	s6 =	sld [smem:$0x3FB4]  }
0x2c: {  	s7 =	sld [smem:$0x3FB5]  }
0x2d: {  	s3 =	simm.s32 $0x108;
	s8 =	sld [smem:$0x3FB6]  }
0x2e: {  	s3 =	simm.s32 @!p0 $0x1082;
	s9 =	sld [smem:$0x3FB7]  }
0x2f: {  	lr =	sadd.s32 s0, s3;
	s0 =	sld [smem:$0x3FAE]  }
0x30: {  	s3 =	sld [smem:$0x3FB1]  }
0x31: {  	[smem:$0x3FBA] =	sst s10  }
0x32: {  	s10 =	sld [smem:$0x3FB8];
	_ =	sdelay $0x3  }
0x33: {  	p0 =	seq.s32 s10, $0x1;
	s10 =	sld [smem:$0x3FBA];
	_ =	sdelay $0x3  }
0x34: {  	[smem:$0x3FBA] =	sst s10  }
0x35: {  	s10 =	sld [smem:$0x3FB9];
	_ =	sdelay $0x3  }
0x36: {  	p1 =	seq.s32 s10, $0x1;
	s10 =	sld [smem:$0x3FBA];
	_ =	sdelay $0x3  }
0x37: {  	[smem:$0x3FBA] =	sst s10  }
0x38: {  	s10 =	sld [smem:$0x3FBB]  }
0x39: {  	_ = 	snop;
	(pc) =	sbr.ind lr, $3  }
0x3a: {  	_ = 	snop  }
0x3b: {  	_ = 	snop  }
0x3c: {  	p2 =	seq.s32 s10, $0x1;
	s10 =	sld [smem:$0x3FBA]  }
0x3d: {  	_ =	shalt  }
0x3e: {  	_ =	shalt  }
0x3f: {  	_ =	shalt  }
0x40: {  	_ =	shalt  }
0x41: {  	_ =	shalt  }
0x42: {  	_ =	shalt  }
0x43: {  	_ =	shalt  }
0x44: {  	_ =	shalt  }
0x45: {  	_ =	shalt  }
0x46: {  	_ =	shalt  }
0x47: {  	_ =	shalt  }
0x48: {  	_ =	shalt  }
0x49: {  	_ =	shalt  }
0x4a: {  	_ =	shalt  }
0x4b: {  	_ =	shalt  }
0x4c: {  	_ =	shalt  }
0x4d: {  	_ =	shalt  }
0x4e: {  	_ =	shalt  }
0x4f: {  	_ =	shalt  }
0x50: {  	_ =	shalt  }
0x51: {  	_ =	shalt  }
0x52: {  	_ =	shalt  }
0x53: {  	_ =	shalt  }
0x54: {  	_ =	shalt  }
0x55: {  	_ =	shalt  }
0x56: {  	_ =	shalt  }
0x57: {  	_ =	shalt  }
0x58: {  	_ =	shalt  }
0x59: {  	_ =	shalt  }
0x5a: {  	_ =	shalt  }
0x5b: {  	_ =	shalt  }
0x5c: {  	_ =	shalt  }
0x5d: {  	_ =	shalt  }
0x5e: {  	_ =	shalt  }
0x5f: {  	_ =	shalt  }
0x60: {  	_ =	shalt  }
0x61: {  	_ =	shalt  }
0x62: {  	_ =	shalt  }
0x63: {  	_ =	shalt  }
0x64: {  	_ =	shalt  }
0x65: {  	_ =	shalt  }
0x66: {  	_ =	shalt  }
0x67: {  	_ =	shalt  }
0x68: {  	_ =	shalt  }
0x69: {  	_ =	shalt  }
0x6a: {  	_ =	shalt  }
0x6b: {  	_ =	shalt  }
0x6c: {  	_ =	shalt  }
0x6d: {  	_ =	shalt  }
0x6e: {  	_ =	shalt  }
0x6f: {  	_ =	shalt  }
0x70: {  	_ =	shalt  }
0x71: {  	_ =	shalt  }
0x72: {  	_ =	shalt  }
0x73: {  	_ =	shalt  }
0x74: {  	_ =	shalt  }
0x75: {  	_ =	shalt  }
0x76: {  	_ =	shalt  }
0x77: {  	_ =	shalt  }
0x78: {  	_ =	shalt  }
0x79: {  	_ =	shalt  }
0x7a: {  	_ =	shalt  }
0x7b: {  	_ =	shalt  }
0x7c: {  	_ =	shalt  }
0x7d: {  	_ =	shalt  }
0x7e: {  	_ =	shalt  }
0x7f: {  	_ =	shalt  }
0x80: {  	_ =	shalt  }
0x81: {  	_ =	shalt  }
0x82: {  	_ =	shalt  }
0x83: {  	_ =	shalt  }
0x84: {  	_ =	shalt  }
0x85: {  	_ =	shalt  }
0x86: {  	_ =	shalt  }
0x87: {  	_ =	shalt  }
.Lfunc_end0:
.L_simem_size_0:
called_computation_lowered:
.L_overlay_start_0:
0x88: {  	s2 =	sld [smem:$0x3FD9]  }
0x89: {  	s3 =	sld [smem:$0x3FFE];
	_ =	sdelay $0x1  }
0x8a: {  	s1 =	srdreg.scid  }
0x8b: {  	s0 =	sand.u32 $0x1, s1  }
0x8c: {  	s17 =	sshll.u32 s0, $0xA;
	s2 =	sadd.s32 s3, s2  }
0x8d: {  	s2 =	sadd.s32 s2, s17  }
0x8e: {  	[smem:$0x3FC6] =	sst s2  }
0x8f: {  	_ = 	snop  }
0x90: {  	s2 =	sld [smem:$0x3FC9]  }
0x91: {  	s18 =	sld [smem:$0x3FD0];
	(tm) =	ssettm $0x1  }
0x92: {  	s4 =	sld [smem:$0x3FFB];
	_ =	sdelay $0x3  }
0x93: {  	_ =	strace s4  }
0x94: {  	s4 =	sld [smem:$0x3FFC];
	_ =	sdelay $0x3  }
0x95: {  	_ =	strace s4  }
0x96: {  	s4 =	sld [smem:$0x3FFD];
	_ =	sdelay $0x3  }
0x97: {  	_ =	strace s4  }
0x98: {  	_ =	strace $0x8FFFFFFF  }
0x99: {  	s19 =	sld [smem:$0x3FDB];
	_ =	sdelay $0x1  }
0x9a: {  	s5 =	simm.s32 $_scs_section_size  }
0x9b: {  	s6 =	simm.s32 $_size__tile_overlayer_lowered;
	s7 =	simm.s32 $_tile_overlayer_lowered  }
0x9c: {  	s22 =	simm.s32 $0x1BFF;
	s21 =	sshll.u32 s7, $0x1;
	s4 =	sadd.s32 s5, s19  }
0x9d: {  	s8 =	simm.s32 $0x0;
	s20 =	sshll.u32 s6, $0x1;
	s6 =	sadd.s32 s21, s4  }
0x9e: {  	[timem:s8], [sflag:s22] =	dma.local [hbm:s6], s20  }
0x9f: {  	_ =	swait.ge [sflag:s22], s20  }
0xa0: {  	s5 =	ssub.s32 $0x0, s20;
	[sflag:s22] =	ssyncset.done $0x0  }
0xa1: {  	[sflag:s22] =	ssyncadd.s32 s5;
	_ =	sdelay $0x1  }
0xa2: {  	s23 =	simm.s32 $0x1B8B  }
0xa3: {  	_ =	swait.ge [sflag:s23], $0x1  }
0xa4: {  	[sflag:s23] =	ssyncset.done $0x0  }
0xa5: {  	s25 =	simm.s32 $0x1B8E;
	s24 =	sld [smem:$0x3FFE];
	[sflag:s23] =	ssyncadd.s32 $0xFFFFFFFF  }
0xa6: {  	s26 =	simm.s32 $execute0_lowered;
	[smem:$0x3FD2] =	sst s25  }
0xa7: {  	s6 =	sshll.u32 s26, $0x1;
	_ =	strace $0x80000046;
	[dreg:$0x1] =	wrdreg $0xFFFFFFFF  }
0xa8: {  	s28 =	simm.s32 $_size_execute0_lowered;
	s4 =	sadd.s32 s4, s6;
	[dreg:$0x0] =	wrdreg $0x0  }
0xa9: {  	s6 =	sshll.u32 s28, $0x1;
	[dreg:$0x2] =	wrdreg s4  }
0xaa: {  	[dreg:$0x3] =	wrdreg s6  }
0xab: {  	[dreg:$0x4] =	wrdreg $0xC0  }
0xac: {  	_ =	task [dreg:s8], $0x5FFFF  }
0xad: {  	[dreg:$0x1] =	wrdreg $0xFFFFFFFF  }
0xae: {  	[dreg:$0x0] =	wrdreg $0x60  }
0xaf: {  	[dreg:$0x2] =	wrdreg s2  }
0xb0: {  	[dreg:$0x3] =	wrdreg s24  }
0xb1: {  	[dreg:$0x4] =	wrdreg s18  }
0xb2: {  	[dreg:$0x5] =	wrdreg $0x9  }
0xb3: {  	_ =	task.clear_ibuf [dreg:s8], $0x6FFFF;
	_ =	strace $0x90000046  }
0xb4: {  	s29 =	simm.s32 $0x9;
	_ =	strace $0x80000048  }
0xb5: {  	_ =	swait.ge [sflag:s29], $0x1  }
0xb6: {  	[sflag:s29] =	ssyncadd.s32 $0xFFFFFFFF  }
0xb7: {  	_ =	strace $0x90000048  }
0xb8: {  	_ =	sfence  }
0xb9: {  	s30 =	sld [smem:$0x0];
	_ =	sdelay $0x2  }
0xba: {  	s31 =	sshll.u32 s1, $0xD;
	s1 =	sshrl.u32 s1, $0x2  }
0xbb: {  	s3 =	sand.u32 $0x4000, s31;
	s1 =	sadd.s32 s1, s30  }
0xbc: {  	s0 =	sor.u32 s3, s0;
	s1 =	sshll.u32 s1, $0x11  }
0xbd: {  	s0 =	sor.u32 s1, s0  }
0xbe: {  	s0 =	sadd.s32 $0x8F2B, s0  }
0xbf: {  	[sflag:s0] =	ssyncadd.remote.s32 $0x1  }
0xc0: {  	_ =	sfence.sel $0xFFFF  }
0xc1: {  	[dreg:$0x0] =	wrdreg $0xFFFFFFFF;
	(pc) =	sbr.abs _section_cstart, $3  }
0xc2: {  	[dreg:$0x1] =	wrdreg $0xFFFFFFFF  }
0xc3: {  	_ =	task.clear_ibuf [dreg:s8], $0x2FFFF;
	_ =	strace $0x9FFFFFFF  }
0xc4: {  	(tm) =	ssettm $0x7FFFFFFF  }
0xc5: {  	_ =	shalt  }
tec
execute0_lowered:
.L_overlay_start_1:
0x0: {  	(tag) =	ssettag $0x1  }
0x1: {  	s1 =	rddreg [dreg:$0x0]  }
0x2: {  	s0 =	rddreg [dreg:$0x1]  }
0x3: {  	s2 =	rddreg [dreg:$0x2]  }
0x4: {  	s3 =	srdreg.scid;
	s9 =	stileid.u32;
	s15 =	simm.s32 $0x4000  }
0x5: {  	s11 =	simm.s32 $0x6000;
	s19 =	simm.s32 $0x8000;
	s10 =	simm.s32 $0xC000  }
0x6: {  	s16 =	simm.s32 $0xE000;
	s29 =	simm.s32 $0x6;
	s30 =	simm.s32 $0x7  }
0x7: {  	s31 =	simm.s32 $0x8;
	s12 =	simm.s32 $0xC;
	s13 =	simm.s32 $0xD  }
0x8: {  	s14 =	simm.s32 $0xE;
	s17 =	simm.s32 $0xF;
	s18 =	simm.s32 $0x10  }
0x9: {  	s28 =	simm.s32 $0x8000;
	s4 =	sand.u32 $0x1, s3;
	s3 =	simm.s32 $0x0  }
0xa: {  	s5 =	sshll.u32 s9, $0xC;
	s7 =	sadd.s32 $0x300, s1;
	s25 =	sshll.u32 s9, $0x12  }
0xb: {  	s6 =	sshll.u32 s4, $0xB;
	[smem:$0x7FF] =	sst s3;
	s23 =	ssub.s32 $0x2, s4  }
0xc: {  	s26 =	sshll.u32 s4, $0x11;
	s4 =	simm.s32 $0xA;
	s5 =	sor.u32 s6, s5  }
0xd: {  	_ =	strace $0x80000047;
	s24 =	sshrl.u32 s23, $0x1;
	s6 =	sadd.s32 $0x200, s1  }
0xe: {  	s0 =	sadd.s32 s5, s0;
	s8 =	ssub.s32 s23, s24;
	s5 =	sadd.s32 $0x100, s1  }
.Ltmp0:
0xf: {  	s23 =	simm.s32 $0xA000;
	s0 =	sadd.s32 $0x400, s0;
	(pc) =	sbr.rel .LBB2_1-.Ltmp0, $4  }
0x10: {  	s24 =	simm.s32 $0x3;
	s8 =	smax.u32 s8, $0x1;
	[dreg:$0x4] =	wrdreg s0  }
0x11: {  	v0 =	vlaneseq.u32;
	[dreg:$0x5] =	wrdreg s8;
	s0 =	sadd.s32 s25, s2;
	s25 =	simm.s32 $0x4  }
0x12: {  	v1 =	vshrl.u32 v0, $0x3;
	s2 =	simm.s32 $0x9;
	s8 =	simm.s32 $0xB;
	s0 =	sadd.s32 s26, s0  }
0x13: {  	vm0 =	vmmov $0xffff;
	v0 =	vand.u32 $0x7, v0;
	v1 =	vmul.u32 $0x8, v1;
	s26 =	simm.s32 $0x5;
	[dreg:$0x6] =	wrdreg s0;
	s0 =	simm.s32 $0x0  }
.LBB2_3:
0x14: {  	_ =	swait.ge [sflag:s4], $0x2000  }
0x15: {  	[sflag:s4] =	ssyncset.done $0x0  }
0x16: {  	[sflag:s4] =	ssyncadd.s32 $0xFFFFE000  }
0x17: {  	_ =	swait.ge [sflag:s8], $0x2000  }
0x18: {  	[sflag:s8] =	ssyncset.done $0x0  }
0x19: {  	[sflag:s8] =	ssyncadd.s32 $0xFFFFE000  }
0x1a: {  	_ =	swait.ge [sflag:s12], $0x2000  }
0x1b: {  	[sflag:s12] =	ssyncset.done $0x0  }
0x1c: {  	[sflag:s12] =	ssyncadd.s32 $0xFFFFE000  }
0x1d: {  	_ =	swait.ge [sflag:s13], $0x2000  }
0x1e: {  	[sflag:s13] =	ssyncset.done $0x0  }
0x1f: {  	[sflag:s13] =	ssyncadd.s32 $0xFFFFE000  }
0x20: {  	_ =	swait.ge [sflag:s14], $0x2000  }
0x21: {  	[sflag:s14] =	ssyncset.done $0x0  }
0x22: {  	[sflag:s14] =	ssyncadd.s32 $0xFFFFE000  }
0x23: {  	_ =	swait.ge [sflag:s17], $0x2000  }
0x24: {  	[sflag:s17] =	ssyncset.done $0x0  }
0x25: {  	[sflag:s17] =	ssyncadd.s32 $0xFFFFE000  }
0x26: {  	s15 =	simm.s32 $0x4000;
	s11 =	simm.s32 $0x6000;
	_ =	swait.ge [sflag:s18], $0x2000  }
0x27: {  	s19 =	simm.s32 $0x8000;
	s23 =	simm.s32 $0xA000;
	[sflag:s18] =	ssyncset.done $0x0  }
0x28: {  	s10 =	simm.s32 $0xC000;
	s16 =	simm.s32 $0xE000;
	[sflag:s18] =	ssyncadd.s32 $0xFFFFE000  }
.LBB2_5:
0x29: {  	s0 =	rddreg [dreg:$0x7]  }
0x2a: {  	s9 =	rddreg [dreg:$0x5];
	s0 =	sadd.s32 $0x1, s0  }
0x2b: {  	p0 =	sne.s32 s0, s9  }
.Ltmp1:
0x2c: {  	_ = 	snop;
	(pc) =	sbr.rel @!p0 .LBB2_6-.Ltmp1, $1  }
0x2d: {  	_ =	sdelay $0x3  }
.LBB2_1:
0x2e: {  	[dreg:$0x7] =	wrdreg s0  }
0x2f: {  	s9 =	rddreg [dreg:$0x4];
	s22 =	simm.s32 $0x11  }
0x30: {  	[tilespmem:s3], [sflag:$0x11] =	stream.linear.gather [hbm4b:s9+s3], $0x4000, $0x38;
	[tilespmem:$0x14000] =	vst v63  }
0x31: {  	_ =	swait.ge [sflag:s22], $0x4000  }
0x32: {  	[sflag:s22] =	ssyncset.done $0x0  }
0x33: {  	[sflag:s22] =	ssyncadd.s32 $0xFFFFC000  }
0x34: {  	v2 =	vld.msk [tilespmem:$0x0], $0xff;
	_ =	sdelay $0x4  }
0x35: {  	v3 =	vshll.u32 v2, $0x3  }
0x36: {  	v2 =	vand.u32 $0x7, v2;
	v3 =	vand.u32 $0xFFFFFFC0, v3  }
0x37: {  	v2 =	vor.u32 v2, v3  }
0x38: {  	v2 =	vperm.xlane v2, v0;
	_ =	sdelay $0x1  }
0x39: {  	v2 =	vadd.s32 v1, v2;
	_ =	sdelay $0x4  }
0x3a: {  	[tilespmem:s15], [sflag:$0x1] =	stream.indirect_vreg.gather [hbm4b:s1+s3], $0x80, v2, vm0, $0xb8;
	[tilespmem:$0x14000] =	vst v63  }
0x3b: {  	s0 =	simm.s32 $0x4800  }
0x3c: {  	[tilespmem:s0], [sflag:$0x1] =	stream.indirect_vreg.gather [hbm4b:s5+s3], $0x80, v2, vm0, $0xb8;
	[tilespmem:$0x14000] =	vst v63  }
0x3d: {  	s20 =	simm.s32 $0x5000  }
0x3e: {  	[tilespmem:s20], [sflag:$0x1] =	stream.indirect_vreg.gather [hbm4b:s6+s3], $0x80, v2, vm0, $0xb8;
	[tilespmem:$0x14000] =	vst v63  }
0x3f: {  	s21 =	simm.s32 $0x5800  }
0x40: {  	[tilespmem:s21], [sflag:$0x1] =	stream.indirect_vreg.gather [hbm4b:s7+s3], $0x80, v2, vm0, $0xb8;
	[tilespmem:$0x14000] =	vst v63  }
0x41: {  	v2 =	vld.msk [tilespmem:$0x80], $0xff;
	_ =	sdelay $0x4  }
0x42: {  	v3 =	vshll.u32 v2, $0x3  }
0x43: {  	v2 =	vand.u32 $0x7, v2;
	v3 =	vand.u32 $0xFFFFFFC0, v3  }
0x44: {  	v2 =	vor.u32 v2, v3  }
0x45: {  	v2 =	vperm.xlane v2, v0;
	_ =	sdelay $0x1  }
0x46: {  	v2 =	vadd.s32 v1, v2;
	_ =	sdelay $0x4  }
0x47: {  	[tilespmem:s11], [sflag:$0x2] =	stream.indirect_vreg.gather [hbm4b:s1+s3], $0x80, v2, vm0, $0xb8;
	[tilespmem:$0x14000] =	vst v63  }
0x48: {  	s22 =	simm.s32 $0x6800  }
0x49: {  	[tilespmem:s22], [sflag:$0x2] =	stream.indirect_vreg.gather [hbm4b:s5+s3], $0x80, v2, vm0, $0xb8;
	[tilespmem:$0x14000] =	vst v63  }
0x4a: {  	s0 =	simm.s32 $0x7000  }
0x4b: {  	[tilespmem:s0], [sflag:$0x2] =	stream.indirect_vreg.gather [hbm4b:s6+s3], $0x80, v2, vm0, $0xb8;
	[tilespmem:$0x14000] =	vst v63  }
0x4c: {  	s11 =	simm.s32 $0x7800  }
0x4d: {  	[tilespmem:s11], [sflag:$0x2] =	stream.indirect_vreg.gather [hbm4b:s7+s3], $0x80, v2, vm0, $0xb8;
	[tilespmem:$0x14000] =	vst v63  }
0x4e: {  	v2 =	vld.msk [tilespmem:$0x100], $0xff;
	_ =	sdelay $0x4  }
0x4f: {  	v3 =	vshll.u32 v2, $0x3  }
0x50: {  	v2 =	vand.u32 $0x7, v2;
	v3 =	vand.u32 $0xFFFFFFC0, v3  }
0x51: {  	v2 =	vor.u32 v2, v3  }
0x52: {  	v2 =	vperm.xlane v2, v0;
	_ =	sdelay $0x1  }
0x53: {  	v2 =	vadd.s32 v1, v2;
	_ =	sdelay $0x4  }
0x54: {  	[tilespmem:s19], [sflag:$0x3] =	stream.indirect_vreg.gather [hbm4b:s1+s3], $0x80, v2, vm0, $0xb8;
	[tilespmem:$0x14000] =	vst v63  }
0x55: {  	s20 =	simm.s32 $0x8800  }
0x56: {  	[tilespmem:s20], [sflag:$0x3] =	stream.indirect_vreg.gather [hbm4b:s5+s3], $0x80, v2, vm0, $0xb8;
	[tilespmem:$0x14000] =	vst v63  }
0x57: {  	s21 =	simm.s32 $0x9000  }
0x58: {  	[tilespmem:s21], [sflag:$0x3] =	stream.indirect_vreg.gather [hbm4b:s6+s3], $0x80, v2, vm0, $0xb8;
	[tilespmem:$0x14000] =	vst v63  }
0x59: {  	s22 =	simm.s32 $0x9800  }
0x5a: {  	[tilespmem:s22], [sflag:$0x3] =	stream.indirect_vreg.gather [hbm4b:s7+s3], $0x80, v2, vm0, $0xb8;
	[tilespmem:$0x14000] =	vst v63  }
0x5b: {  	v2 =	vld.msk [tilespmem:$0x180], $0xff;
	_ =	sdelay $0x4  }
0x5c: {  	v3 =	vshll.u32 v2, $0x3  }
0x5d: {  	v2 =	vand.u32 $0x7, v2;
	v3 =	vand.u32 $0xFFFFFFC0, v3  }
0x5e: {  	v2 =	vor.u32 v2, v3  }
0x5f: {  	v2 =	vperm.xlane v2, v0;
	_ =	sdelay $0x1  }
0x60: {  	v2 =	vadd.s32 v1, v2;
	_ =	sdelay $0x4  }
0x61: {  	[tilespmem:s23], [sflag:$0x4] =	stream.indirect_vreg.gather [hbm4b:s1+s3], $0x80, v2, vm0, $0xb8;
	[tilespmem:$0x14000] =	vst v63  }
0x62: {  	s23 =	simm.s32 $0xA800  }
0x63: {  	[tilespmem:s23], [sflag:$0x4] =	stream.indirect_vreg.gather [hbm4b:s5+s3], $0x80, v2, vm0, $0xb8;
	[tilespmem:$0x14000] =	vst v63  }
0x64: {  	s9 =	simm.s32 $0xB000  }
0x65: {  	[tilespmem:s9], [sflag:$0x4] =	stream.indirect_vreg.gather [hbm4b:s6+s3], $0x80, v2, vm0, $0xb8;
	[tilespmem:$0x14000] =	vst v63  }
0x66: {  	s11 =	simm.s32 $0xB800  }
0x67: {  	[tilespmem:s11], [sflag:$0x4] =	stream.indirect_vreg.gather [hbm4b:s7+s3], $0x80, v2, vm0, $0xb8;
	[tilespmem:$0x14000] =	vst v63  }
0x68: {  	v2 =	vld.msk [tilespmem:$0x200], $0xff;
	_ =	sdelay $0x4  }
0x69: {  	v3 =	vshll.u32 v2, $0x3  }
0x6a: {  	v2 =	vand.u32 $0x7, v2;
	v3 =	vand.u32 $0xFFFFFFC0, v3  }
0x6b: {  	v2 =	vor.u32 v2, v3  }
0x6c: {  	v2 =	vperm.xlane v2, v0;
	_ =	sdelay $0x1  }
0x6d: {  	v2 =	vadd.s32 v1, v2;
	_ =	sdelay $0x4  }
0x6e: {  	[tilespmem:s10], [sflag:$0x5] =	stream.indirect_vreg.gather [hbm4b:s1+s3], $0x80, v2, vm0, $0xb8;
	[tilespmem:$0x14000] =	vst v63  }
0x6f: {  	s19 =	simm.s32 $0xC800  }
0x70: {  	[tilespmem:s19], [sflag:$0x5] =	stream.indirect_vreg.gather [hbm4b:s5+s3], $0x80, v2, vm0, $0xb8;
	[tilespmem:$0x14000] =	vst v63  }
0x71: {  	s20 =	simm.s32 $0xD000  }
0x72: {  	[tilespmem:s20], [sflag:$0x5] =	stream.indirect_vreg.gather [hbm4b:s6+s3], $0x80, v2, vm0, $0xb8;
	[tilespmem:$0x14000] =	vst v63  }
0x73: {  	s21 =	simm.s32 $0xD800  }
0x74: {  	[tilespmem:s21], [sflag:$0x5] =	stream.indirect_vreg.gather [hbm4b:s7+s3], $0x80, v2, vm0, $0xb8;
	[tilespmem:$0x14000] =	vst v63  }
0x75: {  	v2 =	vld.msk [tilespmem:$0x280], $0xff;
	_ =	sdelay $0x4  }
0x76: {  	v3 =	vshll.u32 v2, $0x3  }
0x77: {  	v2 =	vand.u32 $0x7, v2;
	v3 =	vand.u32 $0xFFFFFFC0, v3  }
0x78: {  	v2 =	vor.u32 v2, v3  }
0x79: {  	v2 =	vperm.xlane v2, v0;
	_ =	sdelay $0x1  }
0x7a: {  	v2 =	vadd.s32 v1, v2;
	_ =	sdelay $0x4  }
0x7b: {  	[tilespmem:s16], [sflag:$0x6] =	stream.indirect_vreg.gather [hbm4b:s1+s3], $0x80, v2, vm0, $0xb8;
	[tilespmem:$0x14000] =	vst v63  }
0x7c: {  	s22 =	simm.s32 $0xE800  }
0x7d: {  	[tilespmem:s22], [sflag:$0x6] =	stream.indirect_vreg.gather [hbm4b:s5+s3], $0x80, v2, vm0, $0xb8;
	[tilespmem:$0x14000] =	vst v63  }
0x7e: {  	s23 =	simm.s32 $0xF000  }
0x7f: {  	[tilespmem:s23], [sflag:$0x6] =	stream.indirect_vreg.gather [hbm4b:s6+s3], $0x80, v2, vm0, $0xb8;
	[tilespmem:$0x14000] =	vst v63  }
0x80: {  	s9 =	simm.s32 $0xF800  }
0x81: {  	[tilespmem:s9], [sflag:$0x6] =	stream.indirect_vreg.gather [hbm4b:s7+s3], $0x80, v2, vm0, $0xb8;
	[tilespmem:$0x14000] =	vst v63  }
0x82: {  	v2 =	vld.msk [tilespmem:$0x300], $0xff;
	_ =	sdelay $0x4  }
0x83: {  	v3 =	vshll.u32 v2, $0x3  }
0x84: {  	v2 =	vand.u32 $0x7, v2;
	v3 =	vand.u32 $0xFFFFFFC0, v3  }
0x85: {  	v2 =	vor.u32 v2, v3  }
0x86: {  	v2 =	vperm.xlane v2, v0;
	_ =	sdelay $0x1  }
0x87: {  	v2 =	vadd.s32 v1, v2;
	_ =	sdelay $0x3  }
0x88: {  	s21 =	simm.s32 $0x10000  }
0x89: {  	[tilespmem:s21], [sflag:$0x7] =	stream.indirect_vreg.gather [hbm4b:s1+s3], $0x80, v2, vm0, $0xb8;
	[tilespmem:$0x14000] =	vst v63  }
0x8a: {  	s10 =	simm.s32 $0x10800  }
0x8b: {  	[tilespmem:s10], [sflag:$0x7] =	stream.indirect_vreg.gather [hbm4b:s5+s3], $0x80, v2, vm0, $0xb8;
	[tilespmem:$0x14000] =	vst v63  }
0x8c: {  	s11 =	simm.s32 $0x11000  }
0x8d: {  	[tilespmem:s11], [sflag:$0x7] =	stream.indirect_vreg.gather [hbm4b:s6+s3], $0x80, v2, vm0, $0xb8;
	[tilespmem:$0x14000] =	vst v63  }
0x8e: {  	s16 =	simm.s32 $0x11800  }
0x8f: {  	[tilespmem:s16], [sflag:$0x7] =	stream.indirect_vreg.gather [hbm4b:s7+s3], $0x80, v2, vm0, $0xb8;
	[tilespmem:$0x14000] =	vst v63  }
0x90: {  	v2 =	vld.msk [tilespmem:$0x380], $0xff;
	_ =	sdelay $0x4  }
0x91: {  	v3 =	vshll.u32 v2, $0x3  }
0x92: {  	v2 =	vand.u32 $0x7, v2;
	v3 =	vand.u32 $0xFFFFFFC0, v3  }
0x93: {  	v2 =	vor.u32 v2, v3  }
0x94: {  	v2 =	vperm.xlane v2, v0;
	_ =	sdelay $0x1  }
0x95: {  	v2 =	vadd.s32 v1, v2;
	_ =	sdelay $0x3  }
0x96: {  	s22 =	simm.s32 $0x12000  }
0x97: {  	[tilespmem:s22], [sflag:$0x8] =	stream.indirect_vreg.gather [hbm4b:s1+s3], $0x80, v2, vm0, $0xb8;
	[tilespmem:$0x14000] =	vst v63  }
0x98: {  	s19 =	simm.s32 $0x12800  }
0x99: {  	[tilespmem:s19], [sflag:$0x8] =	stream.indirect_vreg.gather [hbm4b:s5+s3], $0x80, v2, vm0, $0xb8;
	[tilespmem:$0x14000] =	vst v63  }
0x9a: {  	s20 =	simm.s32 $0x13000  }
0x9b: {  	[tilespmem:s20], [sflag:$0x8] =	stream.indirect_vreg.gather [hbm4b:s6+s3], $0x80, v2, vm0, $0xb8;
	[tilespmem:$0x14000] =	vst v63  }
0x9c: {  	s23 =	simm.s32 $0x13800;
	s9 =	simm.s32 $0x0;
	s20 =	simm.s32 $0x780  }
0x9d: {  	[tilespmem:s23], [sflag:$0x8] =	stream.indirect_vreg.gather [hbm4b:s7+s3], $0x80, v2, vm0, $0xb8;
	[tilespmem:$0x14000] =	vst v63  }
.LBB2_2:
0x9e: {  	s0 =	simm.s32 $0x1  }
0x9f: {  	_ =	swait.ge [sflag:s0], $0x2000  }
0xa0: {  	[sflag:s0] =	ssyncset.done $0x0;
	s11 =	rddreg [dreg:$0x6]  }
0xa1: {  	s10 =	simm.s32 $0x2;
	[sflag:s0] =	ssyncadd.s32 $0xFFFFE000;
	s11 =	sadd.s32 s9, s11  }
0xa2: {  	[hbm4b:s11+s3] =	stream.linear.scatter [tilespmem:s15], [sflag:$0x9], $0x2000, $0x38;
	[tilespmem:$0x14000] =	vst v63  }
0xa3: {  	_ =	swait.ge [sflag:s10], $0x2000  }
0xa4: {  	[sflag:s10] =	ssyncset.done $0x0  }
0xa5: {  	s23 =	simm.s32 $0x6000;
	s15 =	sadd.s32 $0x400, s11;
	[sflag:s10] =	ssyncadd.s32 $0xFFFFE000  }
0xa6: {  	[hbm4b:s15+s3] =	stream.linear.scatter [tilespmem:s23], [sflag:$0xA], $0x2000, $0x38;
	[tilespmem:$0x14000] =	vst v63  }
0xa7: {  	_ =	swait.ge [sflag:s24], $0x2000  }
0xa8: {  	[sflag:s24] =	ssyncset.done $0x0  }
0xa9: {  	s15 =	sadd.s32 $0x800, s11;
	[sflag:s24] =	ssyncadd.s32 $0xFFFFE000  }
0xaa: {  	[hbm4b:s15+s3] =	stream.linear.scatter [tilespmem:s28], [sflag:$0xB], $0x2000, $0x38;
	[tilespmem:$0x14000] =	vst v63  }
0xab: {  	_ =	swait.ge [sflag:s25], $0x2000  }
0xac: {  	[sflag:s25] =	ssyncset.done $0x0  }
0xad: {  	s0 =	simm.s32 $0xA000;
	s15 =	sadd.s32 $0xC00, s11;
	[sflag:s25] =	ssyncadd.s32 $0xFFFFE000  }
0xae: {  	[hbm4b:s15+s3] =	stream.linear.scatter [tilespmem:s0], [sflag:$0xC], $0x2000, $0x38;
	[tilespmem:$0x14000] =	vst v63  }
0xaf: {  	_ =	swait.ge [sflag:s26], $0x2000  }
0xb0: {  	[sflag:s26] =	ssyncset.done $0x0  }
0xb1: {  	s10 =	simm.s32 $0xC000;
	s15 =	sadd.s32 $0x1000, s11;
	[sflag:s26] =	ssyncadd.s32 $0xFFFFE000  }
0xb2: {  	[hbm4b:s15+s3] =	stream.linear.scatter [tilespmem:s10], [sflag:$0xD], $0x2000, $0x38;
	[tilespmem:$0x14000] =	vst v63  }
0xb3: {  	_ =	swait.ge [sflag:s29], $0x2000  }
0xb4: {  	[sflag:s29] =	ssyncset.done $0x0  }
0xb5: {  	s16 =	simm.s32 $0xE000;
	s15 =	sadd.s32 $0x1400, s11;
	[sflag:s29] =	ssyncadd.s32 $0xFFFFE000  }
0xb6: {  	[hbm4b:s15+s3] =	stream.linear.scatter [tilespmem:s16], [sflag:$0xE], $0x2000, $0x38;
	[tilespmem:$0x14000] =	vst v63  }
0xb7: {  	_ =	swait.ge [sflag:s30], $0x2000  }
0xb8: {  	[sflag:s30] =	ssyncset.done $0x0  }
0xb9: {  	s15 =	sadd.s32 $0x1800, s11;
	[sflag:s30] =	ssyncadd.s32 $0xFFFFE000  }
0xba: {  	[hbm4b:s15+s3] =	stream.linear.scatter [tilespmem:s21], [sflag:$0xF], $0x2000, $0x38;
	[tilespmem:$0x14000] =	vst v63  }
0xbb: {  	_ =	swait.ge [sflag:s31], $0x2000  }
0xbc: {  	p0 =	sne.s32 s9, $0x1E000;
	[sflag:s31] =	ssyncset.done $0x0  }
.Ltmp2:
0xbd: {  	s11 =	sadd.s32 $0x1C00, s11;
	[sflag:s31] =	ssyncadd.s32 $0xFFFFE000;
	(pc) =	sbr.rel @!p0 .LBB2_3-.Ltmp2, $4  }
0xbe: {  	[hbm4b:s11+s3] =	stream.linear.scatter [tilespmem:s22], [sflag:$0x10], $0x2000, $0x38;
	[tilespmem:$0x14000] =	vst v63  }
0xbf: {  	_ =	swait.ge [sflag:s2], $0x2000  }
0xc0: {  	s19 =	simm.s32 $0x4000;
	[sflag:s2] =	ssyncset.done $0x0  }
0xc1: {  	s15 =	simm.s32 $0x10000;
	s21 =	simm.s32 $0x12000;
	[sflag:s2] =	ssyncadd.s32 $0xFFFFE000  }
0xc2: {  	v2 =	vld.msk [tilespmem:s20+$0xFFFFFC80], $0xff;
	_ =	sdelay $0x4  }
0xc3: {  	v3 =	vshll.u32 v2, $0x3  }
0xc4: {  	v2 =	vand.u32 $0x7, v2;
	v3 =	vand.u32 $0xFFFFFFC0, v3  }
0xc5: {  	v2 =	vor.u32 v2, v3  }
0xc6: {  	v2 =	vperm.xlane v2, v0;
	_ =	sdelay $0x1  }
0xc7: {  	v2 =	vadd.s32 v1, v2;
	_ =	sdelay $0x4  }
0xc8: {  	[tilespmem:s19], [sflag:$0x1] =	stream.indirect_vreg.gather [hbm4b:s1+s3], $0x80, v2, vm0, $0xb8;
	[tilespmem:$0x14000] =	vst v63  }
0xc9: {  	s11 =	simm.s32 $0x4800  }
0xca: {  	[tilespmem:s11], [sflag:$0x1] =	stream.indirect_vreg.gather [hbm4b:s5+s3], $0x80, v2, vm0, $0xb8;
	[tilespmem:$0x14000] =	vst v63  }
0xcb: {  	s19 =	simm.s32 $0x5000  }
0xcc: {  	[tilespmem:s19], [sflag:$0x1] =	stream.indirect_vreg.gather [hbm4b:s6+s3], $0x80, v2, vm0, $0xb8;
	[tilespmem:$0x14000] =	vst v63  }
0xcd: {  	s22 =	simm.s32 $0x5800  }
0xce: {  	[tilespmem:s22], [sflag:$0x1] =	stream.indirect_vreg.gather [hbm4b:s7+s3], $0x80, v2, vm0, $0xb8;
	[tilespmem:$0x14000] =	vst v63  }
0xcf: {  	_ =	swait.ge [sflag:s4], $0x2000  }
0xd0: {  	[sflag:s4] =	ssyncset.done $0x0  }
0xd1: {  	[sflag:s4] =	ssyncadd.s32 $0xFFFFE000  }
0xd2: {  	v2 =	vld.msk [tilespmem:s20+$0xFFFFFD00], $0xff;
	_ =	sdelay $0x4  }
0xd3: {  	v3 =	vshll.u32 v2, $0x3  }
0xd4: {  	v2 =	vand.u32 $0x7, v2;
	v3 =	vand.u32 $0xFFFFFFC0, v3  }
0xd5: {  	v2 =	vor.u32 v2, v3  }
0xd6: {  	v2 =	vperm.xlane v2, v0;
	_ =	sdelay $0x1  }
0xd7: {  	v2 =	vadd.s32 v1, v2;
	_ =	sdelay $0x4  }
0xd8: {  	[tilespmem:s23], [sflag:$0x2] =	stream.indirect_vreg.gather [hbm4b:s1+s3], $0x80, v2, vm0, $0xb8;
	[tilespmem:$0x14000] =	vst v63  }
0xd9: {  	s19 =	simm.s32 $0x6800  }
0xda: {  	[tilespmem:s19], [sflag:$0x2] =	stream.indirect_vreg.gather [hbm4b:s5+s3], $0x80, v2, vm0, $0xb8;
	[tilespmem:$0x14000] =	vst v63  }
0xdb: {  	s22 =	simm.s32 $0x7000  }
0xdc: {  	[tilespmem:s22], [sflag:$0x2] =	stream.indirect_vreg.gather [hbm4b:s6+s3], $0x80, v2, vm0, $0xb8;
	[tilespmem:$0x14000] =	vst v63  }
0xdd: {  	s23 =	simm.s32 $0x7800  }
0xde: {  	[tilespmem:s23], [sflag:$0x2] =	stream.indirect_vreg.gather [hbm4b:s7+s3], $0x80, v2, vm0, $0xb8;
	[tilespmem:$0x14000] =	vst v63  }
0xdf: {  	_ =	swait.ge [sflag:s8], $0x2000  }
0xe0: {  	[sflag:s8] =	ssyncset.done $0x0  }
0xe1: {  	[sflag:s8] =	ssyncadd.s32 $0xFFFFE000  }
0xe2: {  	v2 =	vld.msk [tilespmem:s20+$0xFFFFFD80], $0xff;
	_ =	sdelay $0x4  }
0xe3: {  	v3 =	vshll.u32 v2, $0x3  }
0xe4: {  	v2 =	vand.u32 $0x7, v2;
	v3 =	vand.u32 $0xFFFFFFC0, v3  }
0xe5: {  	v2 =	vor.u32 v2, v3  }
0xe6: {  	v2 =	vperm.xlane v2, v0;
	_ =	sdelay $0x1  }
0xe7: {  	v2 =	vadd.s32 v1, v2;
	_ =	sdelay $0x4  }
0xe8: {  	[tilespmem:s28], [sflag:$0x3] =	stream.indirect_vreg.gather [hbm4b:s1+s3], $0x80, v2, vm0, $0xb8;
	[tilespmem:$0x14000] =	vst v63  }
0xe9: {  	s19 =	simm.s32 $0x8800  }
0xea: {  	[tilespmem:s19], [sflag:$0x3] =	stream.indirect_vreg.gather [hbm4b:s5+s3], $0x80, v2, vm0, $0xb8;
	[tilespmem:$0x14000] =	vst v63  }
0xeb: {  	s22 =	simm.s32 $0x9000  }
0xec: {  	[tilespmem:s22], [sflag:$0x3] =	stream.indirect_vreg.gather [hbm4b:s6+s3], $0x80, v2, vm0, $0xb8;
	[tilespmem:$0x14000] =	vst v63  }
0xed: {  	s23 =	simm.s32 $0x9800  }
0xee: {  	[tilespmem:s23], [sflag:$0x3] =	stream.indirect_vreg.gather [hbm4b:s7+s3], $0x80, v2, vm0, $0xb8;
	[tilespmem:$0x14000] =	vst v63  }
0xef: {  	_ =	swait.ge [sflag:s12], $0x2000  }
0xf0: {  	[sflag:s12] =	ssyncset.done $0x0  }
0xf1: {  	[sflag:s12] =	ssyncadd.s32 $0xFFFFE000  }
0xf2: {  	v2 =	vld.msk [tilespmem:s20+$0xFFFFFE00], $0xff;
	_ =	sdelay $0x4  }
0xf3: {  	v3 =	vshll.u32 v2, $0x3  }
0xf4: {  	v2 =	vand.u32 $0x7, v2;
	v3 =	vand.u32 $0xFFFFFFC0, v3  }
0xf5: {  	v2 =	vor.u32 v2, v3  }
0xf6: {  	v2 =	vperm.xlane v2, v0;
	_ =	sdelay $0x1  }
0xf7: {  	v2 =	vadd.s32 v1, v2;
	_ =	sdelay $0x4  }
0xf8: {  	[tilespmem:s0], [sflag:$0x4] =	stream.indirect_vreg.gather [hbm4b:s1+s3], $0x80, v2, vm0, $0xb8;
	[tilespmem:$0x14000] =	vst v63  }
0xf9: {  	s19 =	simm.s32 $0xA800  }
0xfa: {  	[tilespmem:s19], [sflag:$0x4] =	stream.indirect_vreg.gather [hbm4b:s5+s3], $0x80, v2, vm0, $0xb8;
	[tilespmem:$0x14000] =	vst v63  }
0xfb: {  	s22 =	simm.s32 $0xB000  }
0xfc: {  	[tilespmem:s22], [sflag:$0x4] =	stream.indirect_vreg.gather [hbm4b:s6+s3], $0x80, v2, vm0, $0xb8;
	[tilespmem:$0x14000] =	vst v63  }
0xfd: {  	s23 =	simm.s32 $0xB800  }
0xfe: {  	[tilespmem:s23], [sflag:$0x4] =	stream.indirect_vreg.gather [hbm4b:s7+s3], $0x80, v2, vm0, $0xb8;
	[tilespmem:$0x14000] =	vst v63  }
0xff: {  	_ =	swait.ge [sflag:s13], $0x2000  }
0x100: {  	[sflag:s13] =	ssyncset.done $0x0  }
0x101: {  	[sflag:s13] =	ssyncadd.s32 $0xFFFFE000  }
0x102: {  	v2 =	vld.msk [tilespmem:s20+$0xFFFFFE80], $0xff;
	_ =	sdelay $0x4  }
0x103: {  	v3 =	vshll.u32 v2, $0x3  }
0x104: {  	v2 =	vand.u32 $0x7, v2;
	v3 =	vand.u32 $0xFFFFFFC0, v3  }
0x105: {  	v2 =	vor.u32 v2, v3  }
0x106: {  	v2 =	vperm.xlane v2, v0;
	_ =	sdelay $0x1  }
0x107: {  	v2 =	vadd.s32 v1, v2;
	_ =	sdelay $0x4  }
0x108: {  	[tilespmem:s10], [sflag:$0x5] =	stream.indirect_vreg.gather [hbm4b:s1+s3], $0x80, v2, vm0, $0xb8;
	[tilespmem:$0x14000] =	vst v63  }
0x109: {  	s11 =	simm.s32 $0xC800  }
0x10a: {  	[tilespmem:s11], [sflag:$0x5] =	stream.indirect_vreg.gather [hbm4b:s5+s3], $0x80, v2, vm0, $0xb8;
	[tilespmem:$0x14000] =	vst v63  }
0x10b: {  	s19 =	simm.s32 $0xD000  }
0x10c: {  	[tilespmem:s19], [sflag:$0x5] =	stream.indirect_vreg.gather [hbm4b:s6+s3], $0x80, v2, vm0, $0xb8;
	[tilespmem:$0x14000] =	vst v63  }
0x10d: {  	s22 =	simm.s32 $0xD800  }
0x10e: {  	[tilespmem:s22], [sflag:$0x5] =	stream.indirect_vreg.gather [hbm4b:s7+s3], $0x80, v2, vm0, $0xb8;
	[tilespmem:$0x14000] =	vst v63  }
0x10f: {  	_ =	swait.ge [sflag:s14], $0x2000  }
0x110: {  	[sflag:s14] =	ssyncset.done $0x0  }
0x111: {  	[sflag:s14] =	ssyncadd.s32 $0xFFFFE000  }
0x112: {  	v2 =	vld.msk [tilespmem:s20+$0xFFFFFF00], $0xff;
	_ =	sdelay $0x4  }
0x113: {  	v3 =	vshll.u32 v2, $0x3  }
0x114: {  	v2 =	vand.u32 $0x7, v2;
	v3 =	vand.u32 $0xFFFFFFC0, v3  }
0x115: {  	v2 =	vor.u32 v2, v3  }
0x116: {  	v2 =	vperm.xlane v2, v0;
	_ =	sdelay $0x1  }
0x117: {  	v2 =	vadd.s32 v1, v2;
	_ =	sdelay $0x4  }
0x118: {  	[tilespmem:s16], [sflag:$0x6] =	stream.indirect_vreg.gather [hbm4b:s1+s3], $0x80, v2, vm0, $0xb8;
	[tilespmem:$0x14000] =	vst v63  }
0x119: {  	s23 =	simm.s32 $0xE800  }
0x11a: {  	[tilespmem:s23], [sflag:$0x6] =	stream.indirect_vreg.gather [hbm4b:s5+s3], $0x80, v2, vm0, $0xb8;
	[tilespmem:$0x14000] =	vst v63  }
0x11b: {  	s10 =	simm.s32 $0xF000  }
0x11c: {  	[tilespmem:s10], [sflag:$0x6] =	stream.indirect_vreg.gather [hbm4b:s6+s3], $0x80, v2, vm0, $0xb8;
	[tilespmem:$0x14000] =	vst v63  }
0x11d: {  	s11 =	simm.s32 $0xF800  }
0x11e: {  	[tilespmem:s11], [sflag:$0x6] =	stream.indirect_vreg.gather [hbm4b:s7+s3], $0x80, v2, vm0, $0xb8;
	[tilespmem:$0x14000] =	vst v63  }
0x11f: {  	_ =	swait.ge [sflag:s17], $0x2000  }
0x120: {  	[sflag:s17] =	ssyncset.done $0x0  }
0x121: {  	[sflag:s17] =	ssyncadd.s32 $0xFFFFE000  }
0x122: {  	v2 =	vld.msk [tilespmem:s20+$0xFFFFFF80], $0xff;
	_ =	sdelay $0x4  }
0x123: {  	v3 =	vshll.u32 v2, $0x3  }
0x124: {  	v2 =	vand.u32 $0x7, v2;
	v3 =	vand.u32 $0xFFFFFFC0, v3  }
0x125: {  	v2 =	vor.u32 v2, v3  }
0x126: {  	v2 =	vperm.xlane v2, v0;
	_ =	sdelay $0x1  }
0x127: {  	v2 =	vadd.s32 v1, v2;
	_ =	sdelay $0x4  }
0x128: {  	[tilespmem:s15], [sflag:$0x7] =	stream.indirect_vreg.gather [hbm4b:s1+s3], $0x80, v2, vm0, $0xb8;
	[tilespmem:$0x14000] =	vst v63  }
0x129: {  	s15 =	simm.s32 $0x10800  }
0x12a: {  	[tilespmem:s15], [sflag:$0x7] =	stream.indirect_vreg.gather [hbm4b:s5+s3], $0x80, v2, vm0, $0xb8;
	[tilespmem:$0x14000] =	vst v63  }
0x12b: {  	s16 =	simm.s32 $0x11000  }
0x12c: {  	[tilespmem:s16], [sflag:$0x7] =	stream.indirect_vreg.gather [hbm4b:s6+s3], $0x80, v2, vm0, $0xb8;
	[tilespmem:$0x14000] =	vst v63  }
0x12d: {  	s19 =	simm.s32 $0x11800  }
0x12e: {  	[tilespmem:s19], [sflag:$0x7] =	stream.indirect_vreg.gather [hbm4b:s7+s3], $0x80, v2, vm0, $0xb8;
	[tilespmem:$0x14000] =	vst v63  }
0x12f: {  	_ =	swait.ge [sflag:s18], $0x2000  }
0x130: {  	[sflag:s18] =	ssyncset.done $0x0  }
0x131: {  	[sflag:s18] =	ssyncadd.s32 $0xFFFFE000  }
0x132: {  	v2 =	vld.msk [tilespmem:s20+$0x0], $0xff;
	_ =	sdelay $0x4  }
0x133: {  	v3 =	vshll.u32 v2, $0x3  }
0x134: {  	v2 =	vand.u32 $0x7, v2;
	v3 =	vand.u32 $0xFFFFFFC0, v3  }
0x135: {  	v2 =	vor.u32 v2, v3  }
0x136: {  	v2 =	vperm.xlane v2, v0;
	_ =	sdelay $0x1  }
0x137: {  	v2 =	vadd.s32 v1, v2;
	_ =	sdelay $0x4  }
0x138: {  	[tilespmem:s21], [sflag:$0x8] =	stream.indirect_vreg.gather [hbm4b:s1+s3], $0x80, v2, vm0, $0xb8;
	[tilespmem:$0x14000] =	vst v63  }
0x139: {  	s9 =	sadd.s32 $0x2000, s9;
	s21 =	simm.s32 $0x12800  }
0x13a: {  	[tilespmem:s21], [sflag:$0x8] =	stream.indirect_vreg.gather [hbm4b:s5+s3], $0x80, v2, vm0, $0xb8;
	[tilespmem:$0x14000] =	vst v63  }
0x13b: {  	p0 =	sne.s32 s9, $0x20000;
	s22 =	simm.s32 $0x13000  }
0x13c: {  	[tilespmem:s22], [sflag:$0x8] =	stream.indirect_vreg.gather [hbm4b:s6+s3], $0x80, v2, vm0, $0xb8;
	[tilespmem:$0x14000] =	vst v63  }
.Ltmp3:
0x13d: {  	s23 =	simm.s32 $0x13800;
	s10 =	simm.s32 $0xC000;
	(pc) =	sbr.rel @p0 .LBB2_2-.Ltmp3, $4  }
.Ltmp4:
0x13e: {  	s11 =	simm.s32 $0x6000;
	s15 =	simm.s32 $0x4000;
	(pc) =	sbr.rel @!p0 .LBB2_5-.Ltmp4, $4  }
0x13f: {  	s16 =	simm.s32 $0xE000;
	s19 =	simm.s32 $0x8000;
	s20 =	sadd.s32 $0x400, s20  }
0x140: {  	[tilespmem:s23], [sflag:$0x8] =	stream.indirect_vreg.gather [hbm4b:s7+s3], $0x80, v2, vm0, $0xb8;
	[tilespmem:$0x14000] =	vst v63  }
0x141: {  	s21 =	simm.s32 $0x10000;
	s22 =	simm.s32 $0x12000;
	s23 =	simm.s32 $0xA000  }
0x142: {  	_ = 	snop  }
.LBB2_6:
0x143: {  	_ =	sfence.sel $0x180000  }
0x144: {  	[bflag:$0x0] =	sbarrier.arrive $0xFFFF  }
0x145: {  	_ =	strace $0x90000047  }
0x146: {  	s0 =	stileid.u32;
	[bflag:$0x2] =	sbarrier.arrive $0xFFFF  }
0x147: {  	p0 =	sne.s32 s0, $0x0;
	s0 =	rddreg [dreg:$0x3]  }
0x148: {  	s0 =	sadd.s32 @!p0 $0x100000, s0  }
0x149: {  	[sflag:s0] =	ssyncadd.tile.s32 @!p0 $0x1;
	_ =	shalt  }
.Lfunc_end2:
_tile_overlayer_lowered:
.L_overlay_start_2:
0x14a: {  	(tag) =	ssettag $0x2  }
0x14b: {  	s0 =	rddreg [dreg:$0x0];
	s2 =	stileid.u32  }
0x14c: {  	s1 =	rddreg [dreg:$0x1];
	p0 =	sne.s32 s2, $0x0  }
0x14d: {  	s3 =	rddreg [dreg:$0x2];
	[bflag:$0x3] =	sbarrier.arrive $0xFFFF;
	s2 =	simm.s32 @!p0 $0x1C11  }
0x14e: {  	[timem:s3], [sflag:s2] =	dma.local @!p0 [hbm:s0], s1  }
0x14f: {  	s0 =	simm.s32 @!p0 $0x11  }
0x150: {  	_ =	swait.ge @!p0 [sflag:s0], s1  }
0x151: {  	s1 =	ssub.s32 @!p0 $0x0, s1;
	[sflag:s0] =	ssyncset.done @!p0 $0x0  }
0x152: {  	[sflag:s0] =	ssyncadd.s32 @!p0 s1  }
0x153: {  	[bflag:$0x3] =	sbarrier.arrive $0xFFFF  }
0x154: {  	_ =	shalt  }

</sc_bundles>
